<compile_context>
chip_gen: v7x
topology: tpu7x:2x2x1
jax: 0.10.2.dev20260603
libtpu: 0.0.44.dev20260713+nightly
codegen_flags: <defaults>
</compile_context>

<pallas_src>
import functools

import jax
import jax.numpy as jnp
from jax import lax
from jax.experimental import pallas as pl
from jax.experimental.pallas import tpu as pltpu
from jax.experimental.pallas import tpu_sc as plsc

L = 16
NC = 2
NS = 16
NW = NC * NS
CH = 16384
NB = 2
CEIL_BIAS = float(1.0 - 2.0 ** -23)

BR = 512
BC = 1024
TC_BLOCKS = 32


def _sc_body(x_hbm, ts_hbm, tf_hbm, par_hbm, out_hbm,
             x0_v, x1_v, o0_v, o1_v, ts_v, tf_v, par_v,
             insem0, insem1, outsem0, outsem1, x_off, n_sc, kmax):
    x_v = (x0_v, x1_v)
    o_v = (o0_v, o1_v)
    insem = (insem0, insem1)
    outsem = (outsem0, outsem1)
    wid = lax.axis_index("s") * NC + lax.axis_index("c")
    per_w = n_sc // NW
    base = x_off + wid * per_w
    nchunks = per_w // CH
    ngroups = nchunks // NB

    pltpu.sync_copy(ts_hbm, ts_v)
    pltpu.sync_copy(tf_hbm, tf_v)
    pltpu.sync_copy(par_hbm, par_v)

    c0v = par_v[pl.ds(0, L)]
    invv = par_v[pl.ds(L, L)]
    tmaxv = par_v[pl.ds(2 * L, L)]
    bp0v = par_v[pl.ds(3 * L, L)]

    def in_copy(chunk, b):
        return pltpu.make_async_copy(
            x_hbm.at[pl.ds(base + chunk * CH, CH)], x_v[b], insem[b])

    def out_copy(chunk, b):
        return pltpu.make_async_copy(
            o_v[b], out_hbm.at[pl.ds(base + chunk * CH, CH)], outsem[b])

    for b in range(NB):
        in_copy(b, b).start()

    def group_body(g, carry):
        for b in range(NB):
            chunk = NB * g + b
            in_copy(chunk, b).wait()

            @pl.when(g > 0)
            def _():
                out_copy(chunk - NB, b).wait()

            xb = x_v[b]
            ob = o_v[b]

            @plsc.parallel_loop(0, CH, L, unroll=8)
            def _(i):
                v = xb[pl.ds(i, L)]
                t = v * invv + c0v
                t = jnp.minimum(t, tmaxv)
                c = (t + CEIL_BIAS).astype(jnp.int32)
                c = jnp.minimum(c, kmax)
                idx = jnp.where(v <= bp0v, 0, c)
                s = plsc.load_gather(ts_v, [idx])
                ic = plsc.load_gather(tf_v, [idx])
                ob[pl.ds(i, L)] = v * s + ic

            out_copy(chunk, b).start()

            @pl.when(g < ngroups - 1)
            def _():
                in_copy(chunk + NB, b).start()
        return carry

    lax.fori_loop(0, ngroups, group_body, 0)
    for b in range(NB):
        out_copy(nchunks - NB + b, b).wait()


def _tc_body(par_ref, x_ref, ts_ref, tf_ref, o_ref, kmax):
    c0 = par_ref[0]
    inv = par_ref[1]
    tmax = par_ref[2]
    bp0 = par_ref[3]
    v = x_ref[...]
    t = v * inv + c0
    t = jnp.minimum(t, tmax)
    c = (t + CEIL_BIAS).astype(jnp.int32)
    c = jnp.minimum(c, kmax)
    idx = jnp.where(v <= bp0, 0, c)
    tsb = jnp.broadcast_to(ts_ref[0, :], (BR, 128))
    tfb = jnp.broadcast_to(tf_ref[0, :], (BR, 128))
    s = jnp.take_along_axis(tsb, idx, axis=1)
    ic = jnp.take_along_axis(tfb, idx, axis=1)
    o_ref[...] = v * s + ic


def kernel(x, quantiles, breakpoints):
    fp = quantiles.astype(jnp.float32)
    xp = breakpoints.astype(jnp.float32)
    k = xp.shape[0]
    n = x.shape[0]
    m = TC_BLOCKS * BR * BC
    n_sc = n - m

    zero = jnp.zeros((1,), jnp.float32)
    slope_mid = jnp.diff(fp) / jnp.diff(xp)

    def tables(width):
        pad = jnp.zeros((width - (k + 1),), jnp.float32)
        tslope = jnp.concatenate([zero, slope_mid, zero, pad])
        tflb = jnp.concatenate([fp[-1:], fp, pad])
        txlb = jnp.concatenate([xp[-1:], xp, pad])
        return tslope, tflb - txlb * tslope

    ts64, ti64 = tables(64)
    ts128, ti128 = tables(128)

    bp0 = xp[0]
    inv_step = (k - 1) / (xp[-1] - xp[0])
    par_vals = [-bp0 * inv_step, inv_step, float(k), bp0]
    params_sc = jnp.concatenate(
        [jnp.full((L,), p, jnp.float32) for p in par_vals])
    params_tc = jnp.stack([jnp.asarray(p, jnp.float32) for p in par_vals])

    mesh = plsc.VectorSubcoreMesh(core_axis_name="c", subcore_axis_name="s")
    sc_fn = functools.partial(
        pl.kernel,
        out_type=jax.ShapeDtypeStruct((n,), jnp.float32),
        mesh=mesh,
        compiler_params=pltpu.CompilerParams(needs_layout_passes=False),
        scratch_types=[
            *[pltpu.VMEM((CH,), jnp.float32) for _ in range(4)],
            pltpu.VMEM((64,), jnp.float32),
            pltpu.VMEM((64,), jnp.float32),
            pltpu.VMEM((4 * L,), jnp.float32),
            *[pltpu.SemaphoreType.DMA for _ in range(4)],
        ],
    )(functools.partial(_sc_body, x_off=m, n_sc=n_sc, kmax=k))
    sc_out = sc_fn(x, ts64, ti64, params_sc)

    xm = x.reshape(n // BC, BC)
    tc_out = pl.pallas_call(
        functools.partial(_tc_body, kmax=k),
        out_shape=jax.ShapeDtypeStruct((m // BC, BC), jnp.float32),
        grid=(TC_BLOCKS,),
        in_specs=[
            pl.BlockSpec(memory_space=pltpu.SMEM),
            pl.BlockSpec((BR, BC), lambda i: (i, 0)),
            pl.BlockSpec((1, 128), lambda i: (0, 0)),
            pl.BlockSpec((1, 128), lambda i: (0, 0)),
        ],
        out_specs=pl.BlockSpec((BR, BC), lambda i: (i, 0)),
    )(params_tc, xm, ts128.reshape(1, 128), ti128.reshape(1, 128))

    return lax.dynamic_update_slice(sc_out, tc_out.reshape(m), (0,))

# --- scband reference (transcript-rebuilt; emitter-appended) ---
"""Pipeline reference for scband-linear-quantile-preprocessor-33200097198501 (READ-ONLY COPY).

The authoritative reference and input builder live on the scoring server;
editing this copy changes nothing except your own understanding.
"""

import jax, jax.numpy as jnp
import numpy as np


def _interp(x, xp, fp):
    # Faithful port of interpolate_piecewise_linear.
    slope = jnp.zeros(fp.shape[0] + 1, dtype=fp.dtype)
    slope = slope.at[1:-1].set(jnp.diff(fp) / jnp.diff(xp))
    # torch.bucketize(x, xp) with right=False == searchsorted side='left'
    buckets = jnp.searchsorted(xp, x, side='left')
    x_slope = slope[buckets]
    b = buckets - 1
    # torch indexing with -1 wraps to the last element; replicate that wraparound
    b = jnp.where(b < 0, b + xp.shape[0], b)
    x_lb = xp[b]
    f_lb = fp[b]
    return (x - x_lb) * x_slope + f_lb


def setup_inputs(seed: int = 0):
    key = jax.random.key(seed)
    x = jax.random.normal(key, (33554432,), dtype=jnp.float32)
    # learned parameter: quantiles (61 knots); buffer: breakpoints = linspace(min, max, 61)
    quantiles = jnp.linspace(-3.0, 3.0, 61).astype(jnp.float32)
    breakpoints = jnp.linspace(-3.0, 3.0, 61).astype(jnp.float32)
    return {"x": x, "quantiles": quantiles, "breakpoints": breakpoints}


def reference(x, quantiles, breakpoints):
    # forward(x) = interpolate_piecewise_linear(x, breakpoints, quantiles)
    return _interp(x, breakpoints, quantiles)

if __name__ == "__main__":
    import jax
    _d = setup_inputs()
    print(jax.jit(kernel)(*tuple(_d.values())))

</pallas_src>

<mosaic_0001>
#map = affine_map<(d0, d1) -> (0)>
module attributes {stable_mosaic.version = 14 : i64} {
  func.func @_sc_body(%arg0: i32, %arg1: i32, %arg2: memref<33554432xf32, #tpu.memory_space<hbm>>, %arg3: memref<64xf32, #tpu.memory_space<hbm>>, %arg4: memref<64xf32, #tpu.memory_space<hbm>>, %arg5: memref<64xf32, #tpu.memory_space<hbm>>, %arg6: memref<33554432xf32, #tpu.memory_space<hbm>>, %arg7: memref<16384xf32, #tpu.memory_space<vmem>>, %arg8: memref<16384xf32, #tpu.memory_space<vmem>>, %arg9: memref<16384xf32, #tpu.memory_space<vmem>>, %arg10: memref<16384xf32, #tpu.memory_space<vmem>>, %arg11: memref<64xf32, #tpu.memory_space<vmem>>, %arg12: memref<64xf32, #tpu.memory_space<vmem>>, %arg13: memref<64xf32, #tpu.memory_space<vmem>>, %arg14: memref<!tpu.dma_semaphore, #tpu.memory_space<semaphore_mem>>, %arg15: memref<!tpu.dma_semaphore, #tpu.memory_space<semaphore_mem>>, %arg16: memref<!tpu.dma_semaphore, #tpu.memory_space<semaphore_mem>>, %arg17: memref<!tpu.dma_semaphore, #tpu.memory_space<semaphore_mem>>) attributes {dimension_semantics = [#tpu.dimension_semantics<core_parallel>, #tpu.dimension_semantics<subcore_parallel>], iteration_bounds = array<i64: 2, 16>, scalar_prefetch = 0 : i64, scratch_operands = 11 : i64, tpu.core_type = #tpu.core_type<sc_vector_subcore>, window_params = [{transform_indices = #map}, {transform_indices = #map}, {transform_indices = #map}, {transform_indices = #map}, {transform_indices = #map}]} {
    %mul3A = arith.constant 2 : i32
    %mul3A_0 = arith.muli %arg1, %mul3A : i32
    %add3A = arith.addi %mul3A_0, %arg0 : i32
    %mul3A_1 = arith.constant 524288 : i32
    %mul3A_2 = arith.muli %add3A, %mul3A_1 : i32
    %add3A_3 = arith.constant 16777216 : i32
    %add3A_4 = arith.addi %add3A_3, %mul3A_2 : i32
    "tpu.region"() ({
      %run_scoped3A = tpu.sem_alloc : memref<!tpu.dma_semaphore, #tpu.memory_space<semaphore_mem>>
      tpu.enqueue_dma source(%arg3 : memref<64xf32, #tpu.memory_space<hbm>>) target(%arg11 : memref<64xf32, #tpu.memory_space<vmem>>) target_semaphore(%run_scoped3A : memref<!tpu.dma_semaphore, #tpu.memory_space<semaphore_mem>>)
      tpu.wait_dma2 semaphore(%run_scoped3A : memref<!tpu.dma_semaphore, #tpu.memory_space<semaphore_mem>>) src(%arg3 : memref<64xf32, #tpu.memory_space<hbm>>) dst(%arg11 : memref<64xf32, #tpu.memory_space<vmem>>)
      tpu.yield
    }) : () -> ()
    "tpu.region"() ({
      %run_scoped3A = tpu.sem_alloc : memref<!tpu.dma_semaphore, #tpu.memory_space<semaphore_mem>>
      tpu.enqueue_dma source(%arg4 : memref<64xf32, #tpu.memory_space<hbm>>) target(%arg12 : memref<64xf32, #tpu.memory_space<vmem>>) target_semaphore(%run_scoped3A : memref<!tpu.dma_semaphore, #tpu.memory_space<semaphore_mem>>)
      tpu.wait_dma2 semaphore(%run_scoped3A : memref<!tpu.dma_semaphore, #tpu.memory_space<semaphore_mem>>) src(%arg4 : memref<64xf32, #tpu.memory_space<hbm>>) dst(%arg12 : memref<64xf32, #tpu.memory_space<vmem>>)
      tpu.yield
    }) : () -> ()
    "tpu.region"() ({
      %run_scoped3A = tpu.sem_alloc : memref<!tpu.dma_semaphore, #tpu.memory_space<semaphore_mem>>
      tpu.enqueue_dma source(%arg5 : memref<64xf32, #tpu.memory_space<hbm>>) target(%arg13 : memref<64xf32, #tpu.memory_space<vmem>>) target_semaphore(%run_scoped3A : memref<!tpu.dma_semaphore, #tpu.memory_space<semaphore_mem>>)
      tpu.wait_dma2 semaphore(%run_scoped3A : memref<!tpu.dma_semaphore, #tpu.memory_space<semaphore_mem>>) src(%arg5 : memref<64xf32, #tpu.memory_space<hbm>>) dst(%arg13 : memref<64xf32, #tpu.memory_space<vmem>>)
      tpu.yield
    }) : () -> ()
    %get3A = arith.constant 0 : index
    %get3A_5 = tpu.vector_load %arg13[%get3A] {strides = array<i32>} : memref<64xf32, #tpu.memory_space<vmem>>, vector<16xf32>,
    %get3A_6 = arith.constant 16 : index
    %get3A_7 = tpu.vector_load %arg13[%get3A_6] {strides = array<i32>} : memref<64xf32, #tpu.memory_space<vmem>>, vector<16xf32>,
    %get3A_8 = arith.constant 32 : index
    %get3A_9 = tpu.vector_load %arg13[%get3A_8] {strides = array<i32>} : memref<64xf32, #tpu.memory_space<vmem>>, vector<16xf32>,
    %get3A_10 = arith.constant 48 : index
    %get3A_11 = tpu.vector_load %arg13[%get3A_10] {strides = array<i32>} : memref<64xf32, #tpu.memory_space<vmem>>, vector<16xf32>,
    %add3A_12 = arith.constant 0 : i32
    %add3A_13 = arith.addi %add3A_4, %add3A_12 : i32
    %dma_start3A = tpu.memref_slice %arg2[%add3A_13] : memref<33554432xf32, #tpu.memory_space<hbm>> -> memref<16384xf32, #tpu.memory_space<hbm>>
    %dma_start3A_14 = tpu.memref_slice %arg2[%add3A_13] : memref<33554432xf32, #tpu.memory_space<hbm>> -> memref<16384xf32, #tpu.memory_space<hbm>>
    tpu.enqueue_dma source(%dma_start3A_14 : memref<16384xf32, #tpu.memory_space<hbm>>) target(%arg7 : memref<16384xf32, #tpu.memory_space<vmem>>) target_semaphore(%arg14 : memref<!tpu.dma_semaphore, #tpu.memory_space<semaphore_mem>>)
    %add3A_15 = arith.constant 16384 : i32
    %add3A_16 = arith.addi %add3A_4, %add3A_15 : i32
    %dma_start3A_17 = tpu.memref_slice %arg2[%add3A_16] : memref<33554432xf32, #tpu.memory_space<hbm>> -> memref<16384xf32, #tpu.memory_space<hbm>>
    %dma_start3A_18 = tpu.memref_slice %arg2[%add3A_16] : memref<33554432xf32, #tpu.memory_space<hbm>> -> memref<16384xf32, #tpu.memory_space<hbm>>
    tpu.enqueue_dma source(%dma_start3A_18 : memref<16384xf32, #tpu.memory_space<hbm>>) target(%arg8 : memref<16384xf32, #tpu.memory_space<vmem>>) target_semaphore(%arg15 : memref<!tpu.dma_semaphore, #tpu.memory_space<semaphore_mem>>)
    %scan3A = arith.constant 0 : i32
    %scan3A_19 = arith.constant 0 : i32
    %scan3A_20 = arith.constant 16 : i32
    %scan3A_21 = arith.addi %scan3A_19, %scan3A_20 : i32
    %scan3A_22 = arith.constant 1 : i32
    scf.for %scan3A_31 = %scan3A_19 to %scan3A_21 step %scan3A_22  : i32 {
      %mul3A_32 = arith.constant 2 : i32
      %mul3A_33 = arith.muli %mul3A_32, %scan3A_31 : i32
      %add3A_34 = arith.constant 0 : i32
      %add3A_35 = arith.addi %mul3A_33, %add3A_34 : i32
      %mul3A_36 = arith.constant 16384 : i32
      %mul3A_37 = arith.muli %add3A_35, %mul3A_36 : i32
      %add3A_38 = arith.addi %add3A_4, %mul3A_37 : i32
      %dma_wait3A_39 = tpu.memref_slice %arg2[%add3A_38] : memref<33554432xf32, #tpu.memory_space<hbm>> -> memref<16384xf32, #tpu.memory_space<hbm>>
      %dma_wait3A_40 = tpu.memref_slice %arg2[%add3A_38] : memref<33554432xf32, #tpu.memory_space<hbm>> -> memref<16384xf32, #tpu.memory_space<hbm>>
      tpu.wait_dma2 semaphore(%arg14 : memref<!tpu.dma_semaphore, #tpu.memory_space<semaphore_mem>>) src(%dma_wait3A_40 : memref<16384xf32, #tpu.memory_space<hbm>>) dst(%arg7 : memref<16384xf32, #tpu.memory_space<vmem>>)
      %gt3A = arith.constant 0 : i32
      %gt3A_41 = arith.cmpi sgt, %scan3A_31, %gt3A : i32
      %convert_element_type3A = arith.extui %gt3A_41 : i1 to i32
      %cond3A = arith.constant 0 : i32
      %cond3A_42 = arith.cmpi ne, %convert_element_type3A, %cond3A : i32
      scf.if %cond3A_42 {
        %sub3A = arith.constant 2 : i32
        %sub3A_81 = arith.subi %add3A_35, %sub3A : i32
        %mul3A_82 = arith.constant 16384 : i32
        %mul3A_83 = arith.muli %sub3A_81, %mul3A_82 : i32
        %add3A_84 = arith.addi %add3A_4, %mul3A_83 : i32
        %dma_wait3A_85 = tpu.memref_slice %arg6[%add3A_84] : memref<33554432xf32, #tpu.memory_space<hbm>> -> memref<16384xf32, #tpu.memory_space<hbm>>
        %dma_wait3A_86 = tpu.memref_slice %arg6[%add3A_84] : memref<33554432xf32, #tpu.memory_space<hbm>> -> memref<16384xf32, #tpu.memory_space<hbm>>
        tpu.wait_dma2 semaphore(%arg16 : memref<!tpu.dma_semaphore, #tpu.memory_space<semaphore_mem>>) src(%arg9 : memref<16384xf32, #tpu.memory_space<vmem>>) dst(%dma_wait3A_86 : memref<16384xf32, #tpu.memory_space<hbm>>)
      } else {
      }
      %parallel_loop3A = arith.constant 0 : i32
      %parallel_loop3A_43 = arith.constant 16384 : i32
      %parallel_loop3A_44 = arith.constant 16 : i32
      scf.for %parallel_loop3A_81 = %parallel_loop3A to %parallel_loop3A_43 step %parallel_loop3A_44  : i32 {
        %parallel_loop3A_82 = arith.index_cast %parallel_loop3A_81 : i32 to index
        %parallel_loop3A_83 = tpu.vector_load %arg7[%parallel_loop3A_82] {strides = array<i32>} : memref<16384xf32, #tpu.memory_space<vmem>>, vector<16xf32>,
        %parallel_loop3A_84 = arith.mulf %parallel_loop3A_83, %get3A_7 : vector<16xf32>
        %parallel_loop3A_85 = arith.addf %parallel_loop3A_84, %get3A_5 : vector<16xf32>
        %parallel_loop3A_86 = arith.minimumf %parallel_loop3A_85, %get3A_9 : vector<16xf32>
        %parallel_loop3A_87 = arith.constant 0.99999988 : f32
        %parallel_loop3A_88 = vector.broadcast %parallel_loop3A_87 : f32 to vector<16xf32>
        %parallel_loop3A_89 = arith.addf %parallel_loop3A_86, %parallel_loop3A_88 : vector<16xf32>
        %parallel_loop3A_90 = arith.fptosi %parallel_loop3A_89 : vector<16xf32> to vector<16xi32>
        %parallel_loop3A_91 = arith.constant 61 : i32
        %parallel_loop3A_92 = vector.broadcast %parallel_loop3A_91 : i32 to vector<16xi32>
        %parallel_loop3A_93 = arith.minsi %parallel_loop3A_90, %parallel_loop3A_92 : vector<16xi32>
        %parallel_loop3A_94 = arith.cmpf ole, %parallel_loop3A_83, %get3A_11 : vector<16xf32>
        %parallel_loop3A_95 = arith.constant 0 : i32
        %parallel_loop3A_96 = vector.broadcast %parallel_loop3A_95 : i32 to vector<16xi32>
        %parallel_loop3A_97 = arith.select %parallel_loop3A_94, %parallel_loop3A_96, %parallel_loop3A_93 : vector<16xi1>, vector<16xi32>
        %parallel_loop3A_98 = tpu.vector_load_idx %arg11[%parallel_loop3A_97] : memref<64xf32, #tpu.memory_space<vmem>>[vector<16xi32>], vector<16xf32>,
        %parallel_loop3A_99 = tpu.vector_load_idx %arg12[%parallel_loop3A_97] : memref<64xf32, #tpu.memory_space<vmem>>[vector<16xi32>], vector<16xf32>,
        %parallel_loop3A_100 = arith.mulf %parallel_loop3A_83, %parallel_loop3A_98 : vector<16xf32>
        %parallel_loop3A_101 = arith.addf %parallel_loop3A_100, %parallel_loop3A_99 : vector<16xf32>
        %parallel_loop3A_102 = arith.index_cast %parallel_loop3A_81 : i32 to index
        %parallel_loop3A_103 = tpu.vector_load %arg9[%parallel_loop3A_102] {strides = array<i32>} : memref<16384xf32, #tpu.memory_space<vmem>>, vector<16xf32>,
        tpu.vector_store %arg9[%parallel_loop3A_102], %parallel_loop3A_101 {strides = array<i32>} : memref<16384xf32, #tpu.memory_space<vmem>>, vector<16xf32>,
      } {sc.loop_unroll_factor = 8 : i64, sc.parallel_access}
      %mul3A_45 = arith.constant 16384 : i32
      %mul3A_46 = arith.muli %add3A_35, %mul3A_45 : i32
      %add3A_47 = arith.addi %add3A_4, %mul3A_46 : i32
      %dma_start3A_48 = tpu.memref_slice %arg6[%add3A_47] : memref<33554432xf32, #tpu.memory_space<hbm>> -> memref<16384xf32, #tpu.memory_space<hbm>>
      %dma_start3A_49 = tpu.memref_slice %arg6[%add3A_47] : memref<33554432xf32, #tpu.memory_space<hbm>> -> memref<16384xf32, #tpu.memory_space<hbm>>
      tpu.enqueue_dma source(%arg9 : memref<16384xf32, #tpu.memory_space<vmem>>) target(%dma_start3A_49 : memref<16384xf32, #tpu.memory_space<hbm>>) target_semaphore(%arg16 : memref<!tpu.dma_semaphore, #tpu.memory_space<semaphore_mem>>)
      %lt3A = arith.constant 15 : i32
      %lt3A_50 = arith.cmpi slt, %scan3A_31, %lt3A : i32
      %convert_element_type3A_51 = arith.extui %lt3A_50 : i1 to i32
      %cond3A_52 = arith.constant 0 : i32
      %cond3A_53 = arith.cmpi ne, %convert_element_type3A_51, %cond3A_52 : i32
      scf.if %cond3A_53 {
        %add3A_81 = arith.constant 2 : i32
        %add3A_82 = arith.addi %add3A_35, %add3A_81 : i32
        %mul3A_83 = arith.constant 16384 : i32
        %mul3A_84 = arith.muli %add3A_82, %mul3A_83 : i32
        %add3A_85 = arith.addi %add3A_4, %mul3A_84 : i32
        %dma_start3A_86 = tpu.memref_slice %arg2[%add3A_85] : memref<33554432xf32, #tpu.memory_space<hbm>> -> memref<16384xf32, #tpu.memory_space<hbm>>
        %dma_start3A_87 = tpu.memref_slice %arg2[%add3A_85] : memref<33554432xf32, #tpu.memory_space<hbm>> -> memref<16384xf32, #tpu.memory_space<hbm>>
        tpu.enqueue_dma source(%dma_start3A_87 : memref<16384xf32, #tpu.memory_space<hbm>>) target(%arg7 : memref<16384xf32, #tpu.memory_space<vmem>>) target_semaphore(%arg14 : memref<!tpu.dma_semaphore, #tpu.memory_space<semaphore_mem>>)
      } else {
      }
      %mul3A_54 = arith.constant 2 : i32
      %mul3A_55 = arith.muli %mul3A_54, %scan3A_31 : i32
      %add3A_56 = arith.constant 1 : i32
      %add3A_57 = arith.addi %mul3A_55, %add3A_56 : i32
      %mul3A_58 = arith.constant 16384 : i32
      %mul3A_59 = arith.muli %add3A_57, %mul3A_58 : i32
      %add3A_60 = arith.addi %add3A_4, %mul3A_59 : i32
      %dma_wait3A_61 = tpu.memref_slice %arg2[%add3A_60] : memref<33554432xf32, #tpu.memory_space<hbm>> -> memref<16384xf32, #tpu.memory_space<hbm>>
      %dma_wait3A_62 = tpu.memref_slice %arg2[%add3A_60] : memref<33554432xf32, #tpu.memory_space<hbm>> -> memref<16384xf32, #tpu.memory_space<hbm>>
      tpu.wait_dma2 semaphore(%arg15 : memref<!tpu.dma_semaphore, #tpu.memory_space<semaphore_mem>>) src(%dma_wait3A_62 : memref<16384xf32, #tpu.memory_space<hbm>>) dst(%arg8 : memref<16384xf32, #tpu.memory_space<vmem>>)
      %gt3A_63 = arith.constant 0 : i32
      %gt3A_64 = arith.cmpi sgt, %scan3A_31, %gt3A_63 : i32
      %convert_element_type3A_65 = arith.extui %gt3A_64 : i1 to i32
      %cond3A_66 = arith.constant 0 : i32
      %cond3A_67 = arith.cmpi ne, %convert_element_type3A_65, %cond3A_66 : i32
      scf.if %cond3A_67 {
        %sub3A = arith.constant 2 : i32
        %sub3A_81 = arith.subi %add3A_57, %sub3A : i32
        %mul3A_82 = arith.constant 16384 : i32
        %mul3A_83 = arith.muli %sub3A_81, %mul3A_82 : i32
        %add3A_84 = arith.addi %add3A_4, %mul3A_83 : i32
        %dma_wait3A_85 = tpu.memref_slice %arg6[%add3A_84] : memref<33554432xf32, #tpu.memory_space<hbm>> -> memref<16384xf32, #tpu.memory_space<hbm>>
        %dma_wait3A_86 = tpu.memref_slice %arg6[%add3A_84] : memref<33554432xf32, #tpu.memory_space<hbm>> -> memref<16384xf32, #tpu.memory_space<hbm>>
        tpu.wait_dma2 semaphore(%arg17 : memref<!tpu.dma_semaphore, #tpu.memory_space<semaphore_mem>>) src(%arg10 : memref<16384xf32, #tpu.memory_space<vmem>>) dst(%dma_wait3A_86 : memref<16384xf32, #tpu.memory_space<hbm>>)
      } else {
      }
      %parallel_loop3A_68 = arith.constant 0 : i32
      %parallel_loop3A_69 = arith.constant 16384 : i32
      %parallel_loop3A_70 = arith.constant 16 : i32
      scf.for %parallel_loop3A_81 = %parallel_loop3A_68 to %parallel_loop3A_69 step %parallel_loop3A_70  : i32 {
        %parallel_loop3A_82 = arith.index_cast %parallel_loop3A_81 : i32 to index
        %parallel_loop3A_83 = tpu.vector_load %arg8[%parallel_loop3A_82] {strides = array<i32>} : memref<16384xf32, #tpu.memory_space<vmem>>, vector<16xf32>,
        %parallel_loop3A_84 = arith.mulf %parallel_loop3A_83, %get3A_7 : vector<16xf32>
        %parallel_loop3A_85 = arith.addf %parallel_loop3A_84, %get3A_5 : vector<16xf32>
        %parallel_loop3A_86 = arith.minimumf %parallel_loop3A_85, %get3A_9 : vector<16xf32>
        %parallel_loop3A_87 = arith.constant 0.99999988 : f32
        %parallel_loop3A_88 = vector.broadcast %parallel_loop3A_87 : f32 to vector<16xf32>
        %parallel_loop3A_89 = arith.addf %parallel_loop3A_86, %parallel_loop3A_88 : vector<16xf32>
        %parallel_loop3A_90 = arith.fptosi %parallel_loop3A_89 : vector<16xf32> to vector<16xi32>
        %parallel_loop3A_91 = arith.constant 61 : i32
        %parallel_loop3A_92 = vector.broadcast %parallel_loop3A_91 : i32 to vector<16xi32>
        %parallel_loop3A_93 = arith.minsi %parallel_loop3A_90, %parallel_loop3A_92 : vector<16xi32>
        %parallel_loop3A_94 = arith.cmpf ole, %parallel_loop3A_83, %get3A_11 : vector<16xf32>
        %parallel_loop3A_95 = arith.constant 0 : i32
        %parallel_loop3A_96 = vector.broadcast %parallel_loop3A_95 : i32 to vector<16xi32>
        %parallel_loop3A_97 = arith.select %parallel_loop3A_94, %parallel_loop3A_96, %parallel_loop3A_93 : vector<16xi1>, vector<16xi32>
        %parallel_loop3A_98 = tpu.vector_load_idx %arg11[%parallel_loop3A_97] : memref<64xf32, #tpu.memory_space<vmem>>[vector<16xi32>], vector<16xf32>,
        %parallel_loop3A_99 = tpu.vector_load_idx %arg12[%parallel_loop3A_97] : memref<64xf32, #tpu.memory_space<vmem>>[vector<16xi32>], vector<16xf32>,
        %parallel_loop3A_100 = arith.mulf %parallel_loop3A_83, %parallel_loop3A_98 : vector<16xf32>
        %parallel_loop3A_101 = arith.addf %parallel_loop3A_100, %parallel_loop3A_99 : vector<16xf32>
        %parallel_loop3A_102 = arith.index_cast %parallel_loop3A_81 : i32 to index
        %parallel_loop3A_103 = tpu.vector_load %arg10[%parallel_loop3A_102] {strides = array<i32>} : memref<16384xf32, #tpu.memory_space<vmem>>, vector<16xf32>,
        tpu.vector_store %arg10[%parallel_loop3A_102], %parallel_loop3A_101 {strides = array<i32>} : memref<16384xf32, #tpu.memory_space<vmem>>, vector<16xf32>,
      } {sc.loop_unroll_factor = 8 : i64, sc.parallel_access}
      %mul3A_71 = arith.constant 16384 : i32
      %mul3A_72 = arith.muli %add3A_57, %mul3A_71 : i32
      %add3A_73 = arith.addi %add3A_4, %mul3A_72 : i32
      %dma_start3A_74 = tpu.memref_slice %arg6[%add3A_73] : memref<33554432xf32, #tpu.memory_space<hbm>> -> memref<16384xf32, #tpu.memory_space<hbm>>
      %dma_start3A_75 = tpu.memref_slice %arg6[%add3A_73] : memref<33554432xf32, #tpu.memory_space<hbm>> -> memref<16384xf32, #tpu.memory_space<hbm>>
      tpu.enqueue_dma source(%arg10 : memref<16384xf32, #tpu.memory_space<vmem>>) target(%dma_start3A_75 : memref<16384xf32, #tpu.memory_space<hbm>>) target_semaphore(%arg17 : memref<!tpu.dma_semaphore, #tpu.memory_space<semaphore_mem>>)
      %lt3A_76 = arith.constant 15 : i32
      %lt3A_77 = arith.cmpi slt, %scan3A_31, %lt3A_76 : i32
      %convert_element_type3A_78 = arith.extui %lt3A_77 : i1 to i32
      %cond3A_79 = arith.constant 0 : i32
      %cond3A_80 = arith.cmpi ne, %convert_element_type3A_78, %cond3A_79 : i32
      scf.if %cond3A_80 {
        %add3A_81 = arith.constant 2 : i32
        %add3A_82 = arith.addi %add3A_57, %add3A_81 : i32
        %mul3A_83 = arith.constant 16384 : i32
        %mul3A_84 = arith.muli %add3A_82, %mul3A_83 : i32
        %add3A_85 = arith.addi %add3A_4, %mul3A_84 : i32
        %dma_start3A_86 = tpu.memref_slice %arg2[%add3A_85] : memref<33554432xf32, #tpu.memory_space<hbm>> -> memref<16384xf32, #tpu.memory_space<hbm>>
        %dma_start3A_87 = tpu.memref_slice %arg2[%add3A_85] : memref<33554432xf32, #tpu.memory_space<hbm>> -> memref<16384xf32, #tpu.memory_space<hbm>>
        tpu.enqueue_dma source(%dma_start3A_87 : memref<16384xf32, #tpu.memory_space<hbm>>) target(%arg8 : memref<16384xf32, #tpu.memory_space<vmem>>) target_semaphore(%arg15 : memref<!tpu.dma_semaphore, #tpu.memory_space<semaphore_mem>>)
      } else {
      }
    }
    %scan3A_23 = arith.constant 16 : i32
    %add3A_24 = arith.constant 491520 : i32
    %add3A_25 = arith.addi %add3A_4, %add3A_24 : i32
    %dma_wait3A = tpu.memref_slice %arg6[%add3A_25] : memref<33554432xf32, #tpu.memory_space<hbm>> -> memref<16384xf32, #tpu.memory_space<hbm>>
    %dma_wait3A_26 = tpu.memref_slice %arg6[%add3A_25] : memref<33554432xf32, #tpu.memory_space<hbm>> -> memref<16384xf32, #tpu.memory_space<hbm>>
    tpu.wait_dma2 semaphore(%arg16 : memref<!tpu.dma_semaphore, #tpu.memory_space<semaphore_mem>>) src(%arg9 : memref<16384xf32, #tpu.memory_space<vmem>>) dst(%dma_wait3A_26 : memref<16384xf32, #tpu.memory_space<hbm>>)
    %add3A_27 = arith.constant 507904 : i32
    %add3A_28 = arith.addi %add3A_4, %add3A_27 : i32
    %dma_wait3A_29 = tpu.memref_slice %arg6[%add3A_28] : memref<33554432xf32, #tpu.memory_space<hbm>> -> memref<16384xf32, #tpu.memory_space<hbm>>
    %dma_wait3A_30 = tpu.memref_slice %arg6[%add3A_28] : memref<33554432xf32, #tpu.memory_space<hbm>> -> memref<16384xf32, #tpu.memory_space<hbm>>
    tpu.wait_dma2 semaphore(%arg17 : memref<!tpu.dma_semaphore, #tpu.memory_space<semaphore_mem>>) src(%arg10 : memref<16384xf32, #tpu.memory_space<vmem>>) dst(%dma_wait3A_30 : memref<16384xf32, #tpu.memory_space<hbm>>)
    return
  }
}

module attributes {stable_mosaic.version = 14 : i64} {
  func.func @_tc_body(%arg0: i32, %arg1: memref<4xf32, #tpu.memory_space<smem>>, %arg2: memref<512x1024xf32, #tpu.memory_space<vmem>>, %arg3: memref<1x128xf32, #tpu.memory_space<vmem>>, %arg4: memref<1x128xf32, #tpu.memory_space<vmem>>, %arg5: memref<512x1024xf32, #tpu.memory_space<vmem>>) attributes {dimension_semantics = [#tpu.dimension_semantics<arbitrary>], iteration_bounds = array<i64: 32>, scalar_prefetch = 0 : i64, scratch_operands = 0 : i64, tpu.core_type = #tpu.core_type<tc>, window_params = [{transform_indices = @transform_0, window_bounds = array<i64: 4>}, {transform_indices = @transform_1, window_bounds = array<i64: 512, 1024>}, {pipeline_mode = #tpu.pipeline_mode<synchronous>, transform_indices = @transform_2, window_bounds = array<i64: 1, 128>}, {pipeline_mode = #tpu.pipeline_mode<synchronous>, transform_indices = @transform_3, window_bounds = array<i64: 1, 128>}, {transform_indices = @transform_4, window_bounds = array<i64: 512, 1024>}]} {
    %get3A = arith.constant 0 : index
    %get3A_0 = memref.load %arg1[%get3A] : memref<4xf32, #tpu.memory_space<smem>>
    %get3A_1 = arith.constant 1 : index
    %get3A_2 = memref.load %arg1[%get3A_1] : memref<4xf32, #tpu.memory_space<smem>>
    %get3A_3 = arith.constant 2 : index
    %get3A_4 = memref.load %arg1[%get3A_3] : memref<4xf32, #tpu.memory_space<smem>>
    %get3A_5 = arith.constant 3 : index
    %get3A_6 = memref.load %arg1[%get3A_5] : memref<4xf32, #tpu.memory_space<smem>>
    %get3A_7 = arith.constant 0 : index
    %get3A_8 = arith.constant 0 : index
    %get3A_9 = vector.load %arg2[%get3A_7, %get3A_8] : memref<512x1024xf32, #tpu.memory_space<vmem>>, vector<512x1024xf32>
    %mul3A = vector.broadcast %get3A_2 : f32 to vector<512x1024xf32>
    %mul3A_10 = arith.mulf %get3A_9, %mul3A : vector<512x1024xf32>
    %add3A = vector.broadcast %get3A_0 : f32 to vector<512x1024xf32>
    %add3A_11 = arith.addf %mul3A_10, %add3A : vector<512x1024xf32>
    %min3A = vector.broadcast %get3A_4 : f32 to vector<512x1024xf32>
    %min3A_12 = arith.minimumf %add3A_11, %min3A : vector<512x1024xf32>
    %add3A_13 = arith.constant 0.99999988 : f32
    %add3A_14 = vector.broadcast %add3A_13 : f32 to vector<512x1024xf32>
    %add3A_15 = arith.addf %min3A_12, %add3A_14 : vector<512x1024xf32>
    %convert_element_type3A = arith.fptosi %add3A_15 : vector<512x1024xf32> to vector<512x1024xi32>
    %min3A_16 = arith.constant 61 : i32
    %min3A_17 = vector.broadcast %min3A_16 : i32 to vector<512x1024xi32>
    %min3A_18 = arith.minsi %convert_element_type3A, %min3A_17 : vector<512x1024xi32>
    %le3A = vector.broadcast %get3A_6 : f32 to vector<512x1024xf32>
    %le3A_19 = arith.cmpf ole, %get3A_9, %le3A : vector<512x1024xf32>
    %jit3A = arith.constant 0 : i32
    %broadcast_in_dim3A = vector.broadcast %jit3A : i32 to vector<512x1024xi32>
    %select_n3A = arith.select %le3A_19, %broadcast_in_dim3A, %min3A_18 : vector<512x1024xi1>, vector<512x1024xi32>
    %get3A_20 = arith.constant 0 : index
    %get3A_21 = arith.constant 0 : index
    %get3A_22 = vector.load %arg3[%get3A_20, %get3A_21] : memref<1x128xf32, #tpu.memory_space<vmem>>, vector<1x128xf32>
    %get3A_23 = vector.shape_cast %get3A_22 : vector<1x128xf32> to vector<128xf32>
    %broadcast_in_dim3A_24 = vector.shape_cast %get3A_23 : vector<128xf32> to vector<1x128xf32>
    %broadcast_in_dim3A_25 = vector.broadcast %broadcast_in_dim3A_24 : vector<1x128xf32> to vector<512x128xf32>
    %get3A_26 = arith.constant 0 : index
    %get3A_27 = arith.constant 0 : index
    %get3A_28 = vector.load %arg4[%get3A_26, %get3A_27] : memref<1x128xf32, #tpu.memory_space<vmem>>, vector<1x128xf32>
    %get3A_29 = vector.shape_cast %get3A_28 : vector<1x128xf32> to vector<128xf32>
    %broadcast_in_dim3A_30 = vector.shape_cast %get3A_29 : vector<128xf32> to vector<1x128xf32>
    %broadcast_in_dim3A_31 = vector.broadcast %broadcast_in_dim3A_30 : vector<1x128xf32> to vector<512x128xf32>
    %lt3A = arith.constant 0 : i32
    %lt3A_32 = vector.broadcast %lt3A : i32 to vector<512x1024xi32>
    %lt3A_33 = arith.cmpi slt, %select_n3A, %lt3A_32 : vector<512x1024xi32>
    %add3A_34 = arith.constant 128 : i32
    %add3A_35 = vector.broadcast %add3A_34 : i32 to vector<512x1024xi32>
    %add3A_36 = arith.addi %select_n3A, %add3A_35 : vector<512x1024xi32>
    %select_n3A_37 = arith.select %lt3A_33, %add3A_36, %select_n3A : vector<512x1024xi1>, vector<512x1024xi32>
    %reshape3A = vector.shape_cast %select_n3A_37 : vector<512x1024xi32> to vector<512x1024x1xi32>
    %gather3A = vector.shape_cast %reshape3A : vector<512x1024x1xi32> to vector<512x1024xi32>
    %gather3A_38 = tpu.dynamic_gather %broadcast_in_dim3A_25[%gather3A] in [1] : vector<512x128xf32>, vector<512x1024xi32> -> vector<512x1024xf32>
    %lt3A_39 = arith.constant 0 : i32
    %lt3A_40 = vector.broadcast %lt3A_39 : i32 to vector<512x1024xi32>
    %lt3A_41 = arith.cmpi slt, %select_n3A, %lt3A_40 : vector<512x1024xi32>
    %add3A_42 = arith.constant 128 : i32
    %add3A_43 = vector.broadcast %add3A_42 : i32 to vector<512x1024xi32>
    %add3A_44 = arith.addi %select_n3A, %add3A_43 : vector<512x1024xi32>
    %select_n3A_45 = arith.select %lt3A_41, %add3A_44, %select_n3A : vector<512x1024xi1>, vector<512x1024xi32>
    %reshape3A_46 = vector.shape_cast %select_n3A_45 : vector<512x1024xi32> to vector<512x1024x1xi32>
    %gather3A_47 = vector.shape_cast %reshape3A_46 : vector<512x1024x1xi32> to vector<512x1024xi32>
    %gather3A_48 = tpu.dynamic_gather %broadcast_in_dim3A_31[%gather3A_47] in [1] : vector<512x128xf32>, vector<512x1024xi32> -> vector<512x1024xf32>
    %mul3A_49 = arith.mulf %get3A_9, %gather3A_38 : vector<512x1024xf32>
    %add3A_50 = arith.addf %mul3A_49, %gather3A_48 : vector<512x1024xf32>
    %swap3A = arith.constant 0 : index
    %swap3A_51 = arith.constant 0 : index
    %swap3A_52 = vector.load %arg5[%swap3A, %swap3A_51] : memref<512x1024xf32, #tpu.memory_space<vmem>>, vector<512x1024xf32>
    tpu.vector_store %arg5[%swap3A, %swap3A_51], %add3A_50 {strides = array<i32>} : memref<512x1024xf32, #tpu.memory_space<vmem>>, vector<512x1024xf32>,
    return
  }
  func.func @transform_0(%arg0: i32) -> i32 {
    %c0_i32 = arith.constant 0 : i32
    %c0_i32_0 = arith.constant 0 : i32
    return %c0_i32 : i32
  }
  func.func @transform_1(%arg0: i32) -> (i32, i32) {
    %c0_i32 = arith.constant 0 : i32
    %c0_i32_0 = arith.constant 0 : i32
    return %arg0, %c0_i32 : i32, i32
  }
  func.func @transform_2(%arg0: i32) -> (i32, i32) {
    %c0_i32 = arith.constant 0 : i32
    %c0_i32_0 = arith.constant 0 : i32
    %c0_i32_1 = arith.constant 0 : i32
    return %c0_i32, %c0_i32_0 : i32, i32
  }
  func.func @transform_3(%arg0: i32) -> (i32, i32) {
    %c0_i32 = arith.constant 0 : i32
    %c0_i32_0 = arith.constant 0 : i32
    %c0_i32_1 = arith.constant 0 : i32
    return %c0_i32, %c0_i32_0 : i32, i32
  }
  func.func @transform_4(%arg0: i32) -> (i32, i32) {
    %c0_i32 = arith.constant 0 : i32
    %c0_i32_0 = arith.constant 0 : i32
    return %arg0, %c0_i32 : i32, i32
  }
}

</mosaic_0001>

<sc_bundles>
// kernel: kernel.4.cloned.1.call-start
scs
__scs_entry_jumppad:
0x0: {  	(pc) =	sbr.rel $0x88, $3  }
0x1: {  	(tag) =	ssettag $0x0;
	lr =	simm.s32 $0x1  }
0x2: {  	[smem:$0x3F9E] =	sst lr;
	_ =	strace $0xD0000000  }
0x3: {  	_ = 	snop  }
0x4: {  	_ = 	snop  }
0x5: {  	_ = 	snop  }
0x6: {  	_ = 	snop  }
0x7: {  	_ = 	snop  }
__scs_overlays_trampoline_lowered:
0x8: {  	[smem:$0x3FAD] =	sst s0  }
0x9: {  	[smem:$0x3FAE] =	sst s1  }
0xa: {  	[smem:$0x3FAF] =	sst s2  }
0xb: {  	[smem:$0x3FB0] =	sst s3  }
0xc: {  	[smem:$0x3FB1] =	sst s4  }
0xd: {  	[smem:$0x3FB2] =	sst s5  }
0xe: {  	[smem:$0x3FB3] =	sst s6  }
0xf: {  	[smem:$0x3FB4] =	sst s7  }
0x10: {  	[smem:$0x3FB5] =	sst s8  }
0x11: {  	[smem:$0x3FB6] =	sst s9;
	s0 =	simm.s32 @!p0 $0x0  }
0x12: {  	s1 =	sld [smem:$0x3F9C];
	s0 =	simm.s32 @p0 $0x1  }
0x13: {  	[smem:$0x3FB7] =	sst s0;
	s0 =	simm.s32 @!p1 $0x0  }
0x14: {  	s2 =	sld [smem:$0x3F9B];
	s0 =	simm.s32 @p1 $0x1  }
0x15: {  	[smem:$0x3FB8] =	sst s0;
	s0 =	simm.s32 @!p2 $0x0  }
0x16: {  	s3 =	sld [smem:$0x3FDB];
	s0 =	simm.s32 @p2 $0x1  }
0x17: {  	s4 =	simm.s32 $0x1BF5;
	[smem:$0x3FBA] =	sst s0  }
0x18: {  	s0 =	sld [smem:$0x3F9D];
	_ =	swait.ge [sflag:s4], $0x0  }
0x19: {  	s7 =	sld [smem:$0x3F9E]  }
0x1a: {  	s8 =	sadd.s32 $0xFFFFE003, lr  }
0x1b: {  	s9 =	sadd.s32 $0xFFFFFEF7, lr;
	s5 =	simm.s32 $0xFFFFFFFF;
	p2 =	slt.u32 s8, $0xFFFFF086  }
0x1c: {  	p1 =	slt.u32 s9, $0xF7A;
	s5 =	simm.s32 @!p2 $0x0  }
0x1d: {  	s5 =	simm.s32 @p1 $0x1;
	p0 =	seq.s32 s7, s2  }
0x1e: {  	s7 =	smul.u32 @!p0 $0xF7A, s2;
	p2 =	seq.s32 @!p0 s5, $0x0  }
0x1f: {  	s9 =	smul.u32 $0xF7A, s1;
	s8 =	simm.s32 @!p0 $0x1BF5;
	p2 =	por !p2, p0  }
0x20: {  	[sflag:s8] =	ssyncset.s32 @!p0 $0xFFFFF086;
	s6 =	sadd.s32 @!p0 s3, s7;
	s7 =	simm.s32 @!p0 $0x108  }
0x21: {  	s3 =	sadd.s32 s3, s9;
	s6 =	sadd.s32 @!p0 $0x88, s6;
	s7 =	simm.s32 @p2 $0x1082  }
0x22: {  	[simem:s7], [sflag:s8] =	dma.local @!p0 [hbm:s6], $0xF7A  }
0x23: {  	s9 =	sor.u32 $0xD0000000, s2;
	s6 =	simm.s32 $0x108;
	_ =	swait.ge @!p0 [sflag:s8], $0x0  }
0x24: {  	s3 =	sadd.s32 $0x88, s3;
	s6 =	simm.s32 @!p1 $0x1082;
	[sflag:s4] =	ssyncset.s32 $0xFFFFF086  }
0x25: {  	[simem:s6], [sflag:s4] =	dma.local [hbm:s3], $0xF7A  }
0x26: {  	[smem:$0x3F9E] =	sst s1;
	(tag) =	ssettag s2;
	_ =	strace s9  }
0x27: {  	s1 =	sld [smem:$0x3FAE]  }
0x28: {  	s2 =	sld [smem:$0x3FAF]  }
0x29: {  	s4 =	sld [smem:$0x3FB1]  }
0x2a: {  	p0 =	seq.s32 s5, $0x0;
	s5 =	sld [smem:$0x3FB2]  }
0x2b: {  	s6 =	sld [smem:$0x3FB3]  }
0x2c: {  	s7 =	sld [smem:$0x3FB4]  }
0x2d: {  	s3 =	simm.s32 $0x108;
	s8 =	sld [smem:$0x3FB5]  }
0x2e: {  	s3 =	simm.s32 @!p0 $0x1082;
	s9 =	sld [smem:$0x3FB6]  }
0x2f: {  	lr =	sadd.s32 s0, s3;
	s0 =	sld [smem:$0x3FAD]  }
0x30: {  	s3 =	sld [smem:$0x3FB0]  }
0x31: {  	[smem:$0x3FB9] =	sst s10  }
0x32: {  	s10 =	sld [smem:$0x3FB7];
	_ =	sdelay $0x3  }
0x33: {  	p0 =	seq.s32 s10, $0x1;
	s10 =	sld [smem:$0x3FB9];
	_ =	sdelay $0x3  }
0x34: {  	[smem:$0x3FB9] =	sst s10  }
0x35: {  	s10 =	sld [smem:$0x3FB8];
	_ =	sdelay $0x3  }
0x36: {  	p1 =	seq.s32 s10, $0x1;
	s10 =	sld [smem:$0x3FB9];
	_ =	sdelay $0x3  }
0x37: {  	[smem:$0x3FB9] =	sst s10  }
0x38: {  	s10 =	sld [smem:$0x3FBA]  }
0x39: {  	_ = 	snop;
	(pc) =	sbr.ind lr, $3  }
0x3a: {  	_ = 	snop  }
0x3b: {  	_ = 	snop  }
0x3c: {  	p2 =	seq.s32 s10, $0x1;
	s10 =	sld [smem:$0x3FB9]  }
0x3d: {  	_ =	shalt  }
0x3e: {  	_ =	shalt  }
0x3f: {  	_ =	shalt  }
0x40: {  	_ =	shalt  }
0x41: {  	_ =	shalt  }
0x42: {  	_ =	shalt  }
0x43: {  	_ =	shalt  }
0x44: {  	_ =	shalt  }
0x45: {  	_ =	shalt  }
0x46: {  	_ =	shalt  }
0x47: {  	_ =	shalt  }
0x48: {  	_ =	shalt  }
0x49: {  	_ =	shalt  }
0x4a: {  	_ =	shalt  }
0x4b: {  	_ =	shalt  }
0x4c: {  	_ =	shalt  }
0x4d: {  	_ =	shalt  }
0x4e: {  	_ =	shalt  }
0x4f: {  	_ =	shalt  }
0x50: {  	_ =	shalt  }
0x51: {  	_ =	shalt  }
0x52: {  	_ =	shalt  }
0x53: {  	_ =	shalt  }
0x54: {  	_ =	shalt  }
0x55: {  	_ =	shalt  }
0x56: {  	_ =	shalt  }
0x57: {  	_ =	shalt  }
0x58: {  	_ =	shalt  }
0x59: {  	_ =	shalt  }
0x5a: {  	_ =	shalt  }
0x5b: {  	_ =	shalt  }
0x5c: {  	_ =	shalt  }
0x5d: {  	_ =	shalt  }
0x5e: {  	_ =	shalt  }
0x5f: {  	_ =	shalt  }
0x60: {  	_ =	shalt  }
0x61: {  	_ =	shalt  }
0x62: {  	_ =	shalt  }
0x63: {  	_ =	shalt  }
0x64: {  	_ =	shalt  }
0x65: {  	_ =	shalt  }
0x66: {  	_ =	shalt  }
0x67: {  	_ =	shalt  }
0x68: {  	_ =	shalt  }
0x69: {  	_ =	shalt  }
0x6a: {  	_ =	shalt  }
0x6b: {  	_ =	shalt  }
0x6c: {  	_ =	shalt  }
0x6d: {  	_ =	shalt  }
0x6e: {  	_ =	shalt  }
0x6f: {  	_ =	shalt  }
0x70: {  	_ =	shalt  }
0x71: {  	_ =	shalt  }
0x72: {  	_ =	shalt  }
0x73: {  	_ =	shalt  }
0x74: {  	_ =	shalt  }
0x75: {  	_ =	shalt  }
0x76: {  	_ =	shalt  }
0x77: {  	_ =	shalt  }
0x78: {  	_ =	shalt  }
0x79: {  	_ =	shalt  }
0x7a: {  	_ =	shalt  }
0x7b: {  	_ =	shalt  }
0x7c: {  	_ =	shalt  }
0x7d: {  	_ =	shalt  }
0x7e: {  	_ =	shalt  }
0x7f: {  	_ =	shalt  }
0x80: {  	_ =	shalt  }
0x81: {  	_ =	shalt  }
0x82: {  	_ =	shalt  }
0x83: {  	_ =	shalt  }
0x84: {  	_ =	shalt  }
0x85: {  	_ =	shalt  }
0x86: {  	_ =	shalt  }
0x87: {  	_ =	shalt  }
.Lfunc_end0:
.L_simem_size_0:
called_computation.1_lowered:
.L_overlay_start_0:
0x88: {  	s2 =	sld [smem:$0x3FD9]  }
0x89: {  	s3 =	sld [smem:$0x3FFE];
	_ =	sdelay $0x1  }
0x8a: {  	s1 =	srdreg.scid  }
0x8b: {  	s0 =	sand.u32 $0x1, s1  }
0x8c: {  	s17 =	sshll.u32 s0, $0xA;
	s2 =	sadd.s32 s3, s2  }
0x8d: {  	s2 =	sadd.s32 s2, s17  }
0x8e: {  	[smem:$0x3FC5] =	sst s2  }
0x8f: {  	_ = 	snop  }
0x90: {  	s4 =	sld [smem:$0x3FC9]  }
0x91: {  	s18 =	sld [smem:$0x3FD0];
	(tm) =	ssettm $0x1  }
0x92: {  	s19 =	sld [smem:$0x3FFB];
	_ =	sdelay $0x3  }
0x93: {  	_ =	strace s19  }
0x94: {  	s2 =	sld [smem:$0x3FFC];
	_ =	sdelay $0x3  }
0x95: {  	_ =	strace s2  }
0x96: {  	s2 =	sld [smem:$0x3FFD];
	_ =	sdelay $0x3  }
0x97: {  	_ =	strace s2  }
0x98: {  	_ =	strace $0x8FFFFFFF  }
0x99: {  	s20 =	sld [smem:$0x3FDB];
	_ =	sdelay $0x1  }
0x9a: {  	s5 =	simm.s32 $_scs_section_size  }
0x9b: {  	s6 =	simm.s32 $_size__tile_overlayer_lowered;
	s7 =	simm.s32 $_tile_overlayer_lowered  }
0x9c: {  	s8 =	simm.s32 $0x1BFF;
	s21 =	sshll.u32 s7, $0x1;
	s5 =	sadd.s32 s5, s20  }
0x9d: {  	s22 =	simm.s32 $0x0;
	s6 =	sshll.u32 s6, $0x1;
	s7 =	sadd.s32 s21, s5  }
0x9e: {  	[timem:s22], [sflag:s8] =	dma.local [hbm:s7], s6  }
0x9f: {  	_ =	swait.ge [sflag:s8], s6  }
0xa0: {  	s6 =	ssub.s32 $0x0, s6;
	[sflag:s8] =	ssyncset.done $0x0  }
0xa1: {  	[sflag:s8] =	ssyncadd.s32 s6;
	_ =	sdelay $0x1  }
0xa2: {  	s23 =	simm.s32 $0x1B8B  }
0xa3: {  	_ =	swait.ge [sflag:s23], $0x1  }
0xa4: {  	[sflag:s23] =	ssyncset.done $0x0  }
0xa5: {  	[sflag:s23] =	ssyncadd.s32 $0xFFFFFFFF  }
0xa6: {  	s6 =	sld [smem:$0x0]  }
0xa7: {  	s7 =	sand.u32 $0xFFFFFFFE, s1  }
0xa8: {  	p0 =	sne.s32 s1, s7  }
0xa9: {  	s7 =	sshll.u32 @p0 s7, $0xE  }
0xaa: {  	s7 =	sadd.s32 @p0 $0x11B8D, s7;
	s8 =	sshll.u32 @p0 s6, $0x11  }
0xab: {  	s7 =	sor.u32 @p0 s8, s7  }
0xac: {  	[sflag:s7] =	ssyncadd.remote.s32 @p0 $0x1;
	_ =	sdelay $0x1  }
0xad: {  	s7 =	simm.s32 @p0 $0x1B8D  }
0xae: {  	_ =	swait.eq @p0 [sflag:s7], $0x1  }
0xaf: {  	[sflag:s7] =	ssyncadd.s32 @p0 $0xFFFFFFFF  }
0xb0: {  	s8 =	sshll.u32 @!p0 s1, $0xE  }
0xb1: {  	s8 =	sor.u32 @!p0 $0x4000, s8;
	s7 =	simm.s32 @!p0 $0x1B8D  }
0xb2: {  	s6 =	sshll.u32 @!p0 s6, $0x11;
	s8 =	sadd.s32 @!p0 $0x11B8D, s8;
	_ =	swait.eq @!p0 [sflag:s7], $0x1  }
0xb3: {  	s6 =	sor.u32 @!p0 s6, s8;
	[sflag:s7] =	ssyncadd.s32 @!p0 $0xFFFFFFFF  }
0xb4: {  	s25 =	simm.s32 $0x1B8E;
	s24 =	sld [smem:$0x3FFE];
	[sflag:s6] =	ssyncadd.remote.s32 @!p0 $0x1  }
0xb5: {  	s26 =	simm.s32 $execute0_lowered;
	[smem:$0x3FD2] =	sst s25  }
0xb6: {  	s7 =	sshll.u32 s26, $0x1;
	_ =	strace $0x80000049;
	[dreg:$0x1] =	wrdreg $0xFFFFFFFF  }
0xb7: {  	s28 =	simm.s32 $_size_execute0_lowered;
	s5 =	sadd.s32 s5, s7;
	[dreg:$0x0] =	wrdreg $0x0  }
0xb8: {  	s7 =	sshll.u32 s28, $0x1;
	[dreg:$0x2] =	wrdreg s5  }
0xb9: {  	[dreg:$0x3] =	wrdreg s7  }
0xba: {  	[dreg:$0x4] =	wrdreg $0xC0  }
0xbb: {  	_ =	task [dreg:s22], $0x5FFFF  }
0xbc: {  	[dreg:$0x1] =	wrdreg $0xFFFFFFFF  }
0xbd: {  	[dreg:$0x0] =	wrdreg $0x60  }
0xbe: {  	[dreg:$0x2] =	wrdreg s4  }
0xbf: {  	[dreg:$0x3] =	wrdreg s24  }
0xc0: {  	[dreg:$0x4] =	wrdreg s18  }
0xc1: {  	[dreg:$0x5] =	wrdreg $0xA  }
0xc2: {  	_ =	task.clear_ibuf [dreg:s22], $0x6FFFF;
	_ =	strace $0x90000049  }
0xc3: {  	s29 =	simm.s32 $0xA;
	_ =	strace $0x8000004B  }
0xc4: {  	_ =	swait.ge [sflag:s29], $0x1  }
0xc5: {  	[sflag:s29] =	ssyncadd.s32 $0xFFFFFFFF  }
0xc6: {  	_ =	strace $0x9000004B  }
0xc7: {  	_ =	sfence  }
0xc8: {  	s30 =	sld [smem:$0x0];
	_ =	sdelay $0x2  }
0xc9: {  	s31 =	sshll.u32 s1, $0xD;
	s1 =	sshrl.u32 s1, $0x2  }
0xca: {  	s4 =	sand.u32 $0x4000, s31;
	s1 =	sadd.s32 s1, s30  }
0xcb: {  	s0 =	sor.u32 s4, s0;
	s1 =	sshll.u32 s1, $0x11  }
0xcc: {  	s0 =	sor.u32 s1, s0  }
0xcd: {  	s0 =	sadd.s32 $0x8F2B, s0  }
0xce: {  	[sflag:s0] =	ssyncadd.remote.s32 $0x1  }
0xcf: {  	_ =	sfence.sel $0xFFFF  }
0xd0: {  	[dreg:$0x0] =	wrdreg $0xFFFFFFFF;
	(pc) =	sbr.abs _section_cstart, $3  }
0xd1: {  	[dreg:$0x1] =	wrdreg $0xFFFFFFFF  }
0xd2: {  	_ =	task.clear_ibuf [dreg:s22], $0x2FFFF;
	_ =	strace $0x9FFFFFFF  }
0xd3: {  	(tm) =	ssettm $0x7FFFFFFF  }
tec
execute0_lowered:
.L_overlay_start_1:
0x0: {  	(tag) =	ssettag $0x1  }
0x1: {  	s1 =	rddreg [dreg:$0x0]  }
0x2: {  	s0 =	rddreg [dreg:$0x1]  }
0x3: {  	s2 =	rddreg [dreg:$0x2];
	s4 =	simm.s32 $0x0  }
0x4: {  	s3 =	srdreg.scid;
	s5 =	stileid.u32;
	s15 =	simm.s32 $0x10000  }
0x5: {  	s16 =	simm.s32 $0x5;
	s17 =	simm.s32 $0x10080;
	s19 =	simm.s32 $0x4000  }
0x6: {  	s20 =	simm.s32 $0x1;
	s21 =	simm.s32 $0x8000;
	s22 =	simm.s32 $0x2  }
0x7: {  	s23 =	simm.s32 $0xC000;
	s24 =	simm.s32 $0x3;
	s25 =	simm.s32 $0x4  }
0x8: {  	s26 =	simm.s32 $0x0;
	[smem:$0x7FF] =	sst s4;
	s3 =	sand.u32 $0x1, s3  }
0x9: {  	s6 =	sadd.s32 $0x1C00, s0;
	s5 =	sshll.u32 s5, $0x14;
	s7 =	sadd.s32 $0x2000, s0  }
0xa: {  	_ =	strace $0x8000004A;
	[dreg:$0x4] =	wrdreg s6;
	s8 =	sshll.u32 s3, $0x13  }
.Ltmp0:
0xb: {  	s29 =	ssub.s32 $0x2, s3;
	s8 =	sor.u32 s8, s5;
	(pc) =	sbr.rel .LBB2_1-.Ltmp0, $4  }
0xc: {  	s6 =	sadd.s32 $0x1A00, s0;
	s31 =	sshrl.u32 s29, $0x1;
	s9 =	sor.u32 $0x1000000, s8  }
0xd: {  	s30 =	sshrl.u32 s8, $0x3;
	s0 =	ssub.s32 s29, s31;
	s12 =	sor.u32 $0x1008000, s8  }
0xe: {  	s13 =	sor.u32 $0x100C000, s8;
	s10 =	sshrl.u32 s9, $0x3;
	s3 =	sadd.s32 s30, s1  }
0xf: {  	s14 =	smax.u32 s0, $0x1;
	s10 =	sadd.s32 s1, s10;
	s11 =	sadd.s32 $0x200800, s3  }
.LBB2_8:
0x10: {  	s26 =	sadd.s32 $0x1, s26  }
0x11: {  	_ =	swait.ge [sflag:s24], $0x4000;
	p0 =	sne.s32 s26, s14  }
.Ltmp1:
0x12: {  	[sflag:s24] =	ssyncset.done $0x0;
	(pc) =	sbr.rel @!p0 .LBB2_9-.Ltmp1, $4  }
0x13: {  	[sflag:s24] =	ssyncadd.s32 $0xFFFFC000  }
0x14: {  	_ =	swait.ge [sflag:s25], $0x4000  }
0x15: {  	[sflag:s25] =	ssyncset.done $0x0  }
0x16: {  	[sflag:s25] =	ssyncadd.s32 $0xFFFFC000  }
.LBB2_1:
0x17: {  	s0 =	rddreg [dreg:$0x4]  }
0x18: {  	[tilespmem:s15], [sflag:$0x5] =	stream.linear.gather [hbm4b:s0+s4], $0x80, $0x38;
	[tilespmem:$0x10180] =	vst v63  }
0x19: {  	_ =	swait.ge [sflag:s16], $0x80  }
0x1a: {  	[sflag:s16] =	ssyncset.done $0x0  }
0x1b: {  	[sflag:s16] =	ssyncadd.s32 $0xFFFFFF80  }
0x1c: {  	[tilespmem:s17], [sflag:$0x5] =	stream.linear.gather [hbm4b:s6+s4], $0x80, $0x38;
	[tilespmem:$0x10180] =	vst v63  }
0x1d: {  	_ =	swait.ge [sflag:s16], $0x80  }
0x1e: {  	[sflag:s16] =	ssyncset.done $0x0  }
0x1f: {  	s31 =	simm.s32 $0x10100;
	[sflag:s16] =	ssyncadd.s32 $0xFFFFFF80  }
0x20: {  	[tilespmem:s31], [sflag:$0x5] =	stream.linear.gather [hbm4b:s7+s4], $0x80, $0x38;
	[tilespmem:$0x10180] =	vst v63  }
0x21: {  	_ =	swait.ge [sflag:s16], $0x80  }
0x22: {  	[sflag:s16] =	ssyncset.done $0x0  }
0x23: {  	[sflag:s16] =	ssyncadd.s32 $0xFFFFFF80  }
0x24: {  	v0 =	vld [tilespmem:$0x10100]  }
0x25: {  	v1 =	vld [tilespmem:$0x10110]  }
0x26: {  	v2 =	vld [tilespmem:$0x10120]  }
0x27: {  	v3 =	vld [tilespmem:$0x10130];
	[tilespmem:s4], [sflag:$0x1] =	stream.linear.gather [hbm4b:s10+s4], $0x4000, $0x38  }
0x28: {  	s28 =	simm.s32 $0x0  }
0x29: {  	[tilespmem:s19], [sflag:$0x2] =	stream.linear.gather [hbm4b:s11+s4], $0x4000, $0x38;
	[tilespmem:$0x10180] =	vst v63  }
.LBB2_2:
0x2a: {  	_ =	swait.ge [sflag:s20], $0x4000  }
0x2b: {  	p0 =	seq.s32 s28, $0x0;
	[sflag:s20] =	ssyncset.done $0x0  }
0x2c: {  	s0 =	simm.s32 @!p0 $0x3;
	[sflag:s20] =	ssyncadd.s32 $0xFFFFC000  }
0x2d: {  	_ =	swait.ge @!p0 [sflag:s0], $0x4000  }
0x2e: {  	[sflag:s0] =	ssyncset.done @!p0 $0x0  }
0x2f: {  	s3 =	simm.s32 $0x40;
	[sflag:s0] =	ssyncadd.s32 @!p0 $0xFFFFC000  }
0x30: {  	v4 =	vld [tilespmem:s3+$0x30]  }
0x31: {  	v11 =	vld [tilespmem:s3+$0xFFFFFFD0]  }
0x32: {  	v16 =	vld [tilespmem:s3+$0xFFFFFFE0]  }
0x33: {  	v12 =	vld [tilespmem:s3+$0xFFFFFFF0]  }
0x34: {  	v15 =	vld [tilespmem:s3+$0x0]  }
0x35: {  	v13 =	vld [tilespmem:s3+$0x10]  }
0x36: {  	v14 =	vld [tilespmem:s3+$0x20]  }
0x37: {  	s5 =	simm.s32 $0xC0;
	v17 =	vld [tilespmem:s3+$0xFFFFFFC0]  }
0x38: {  	v22 =	vld [tilespmem:s5+$0x30];
	v5 =	vmul.f32 v4, v1;
	v6 =	vmul.f32 v11, v1  }
0x39: {  	v7 =	vmul.f32 v16, v1;
	v8 =	vmul.f32 v12, v1  }
0x3a: {  	v9 =	vmul.f32 v15, v1;
	v10 =	vmul.f32 v13, v1  }
0x3b: {  	v18 =	vmul.f32 v14, v1;
	v5 =	vadd.f32 v5, v0;
	v6 =	vadd.f32 v6, v0  }
0x3c: {  	v19 =	vmul.f32 v17, v1;
	v7 =	vadd.f32 v7, v0;
	v8 =	vadd.f32 v8, v0  }
0x3d: {  	v27 =	vmul.f32 v22, v1;
	v9 =	vadd.f32 v9, v0;
	v10 =	vadd.f32 v10, v0  }
0x3e: {  	v18 =	vadd.f32 v18, v0;
	v19 =	vadd.f32 v19, v0  }
0x3f: {  	v27 =	vadd.f32 v27, v0;
	v5 =	vmin.f32 v5, v2;
	v6 =	vmin.f32 v6, v2  }
0x40: {  	v7 =	vmin.f32 v7, v2;
	v8 =	vmin.f32 v8, v2;
	v9 =	vmin.f32 v9, v2  }
0x41: {  	v10 =	vmin.f32 v10, v2;
	v19 =	vmin.f32 v19, v2;
	v5 =	vadd.f32 $9.999998800e-01, v5  }
0x42: {  	v18 =	vmin.f32 v18, v2;
	v19 =	vadd.f32 $9.999998800e-01, v19;
	v6 =	vadd.f32 $9.999998800e-01, v6  }
0x43: {  	v27 =	vmin.f32 v27, v2;
	v7 =	vadd.f32 $9.999998800e-01, v7;
	v8 =	vadd.f32 $9.999998800e-01, v8  }
0x44: {  	v9 =	vadd.f32 $9.999998800e-01, v9;
	v10 =	vadd.f32 $9.999998800e-01, v10;
	v5 =	vtrunc.f32 v5  }
0x45: {  	v18 =	vadd.f32 $9.999998800e-01, v18;
	v19 =	vtrunc.f32 v19;
	v6 =	vtrunc.f32 v6  }
0x46: {  	v27 =	vadd.f32 $9.999998800e-01, v27;
	v7 =	vtrunc.f32 v7;
	v8 =	vtrunc.f32 v8  }
0x47: {  	v9 =	vtrunc.f32 v9;
	v10 =	vtrunc.f32 v10  }
0x48: {  	vm0 =	vle.f32 v11, v3;
	v18 =	vtrunc.f32 v18;
	v27 =	vtrunc.f32 v27  }
0x49: {  	vm1 =	vle.f32 v16, v3;
	v5 =	vcvt.f32.s32 v5;
	v19 =	vcvt.f32.s32 v19  }
0x4a: {  	vm2 =	vle.f32 v12, v3;
	v6 =	vcvt.f32.s32 v6;
	v7 =	vcvt.f32.s32 v7  }
0x4b: {  	vm5 =	vle.f32 v17, v3;
	v8 =	vcvt.f32.s32 v8;
	v9 =	vcvt.f32.s32 v9  }
0x4c: {  	vm6 =	vle.f32 v14, v3;
	v18 =	vcvt.f32.s32 v18;
	v27 =	vcvt.f32.s32 v27  }
0x4d: {  	vm3 =	vlt.s32 v5, $0x3D;
	vm7 =	vlt.s32 v19, $0x3D;
	vm8 =	vlt.s32 v6, $0x3D  }
0x4e: {  	vm9 =	vlt.s32 v7, $0x3D;
	vm10 =	vlt.s32 v8, $0x3D;
	vm11 =	vlt.s32 v9, $0x3D  }
0x4f: {  	v5 =	vnsel vm3, $0x3D, v5;
	vm3 =	vle.f32 v4, v3;
	v19 =	vnsel vm7, $0x3D, v19  }
0x50: {  	vm7 =	vlt.s32 v18, $0x3D;
	v6 =	vnsel vm8, $0x3D, v6;
	v23 =	vnsel vm9, $0x3D, v7  }
0x51: {  	v24 =	vnsel vm10, $0x3D, v8;
	v9 =	vnsel vm11, $0x3D, v9;
	v7 =	vld [tilespmem:s5+$0xFFFFFFF0];
	v5 =	vsel vm3, $0x0, v5  }
0x52: {  	v8 =	vld [tilespmem:s5+$0x0];
	vm3 =	vle.f32 v15, v3;
	v26 =	vsel vm0, $0x0, v6;
	v6 =	vnsel vm7, $0x3D, v18  }
0x53: {  	v18 =	vsel vm1, $0x0, v23;
	v23 =	vsel vm2, $0x0, v24;
	v24 =	vsel vm3, $0x0, v9;
	v9 =	vld [tilespmem:s5+$0x10]  }
0x54: {  	v10 =	vcvt.f32.s32 v10;
	v25 =	vsel vm5, $0x0, v19;
	v19 =	vsel vm6, $0x0, v6;
	v6 =	vld [tilespmem:s5+$0xFFFFFFC0]  }
0x55: {  	vm3 =	vlt.s32 v27, $0x3D  }
0x56: {  	vm4 =	vle.f32 v13, v3;
	vm12 =	vlt.s32 v10, $0x3D;
	v27 =	vnsel vm3, $0x3D, v27;
	v20 =	vld.idx.msk [tilespmem:v5+s15+$0x0], $0xffff  }
0x57: {  	vm3 =	vle.f32 v22, v3;
	v30 =	vmul.f32 v7, v1;
	v31 =	vmul.f32 v8, v1;
	v21 =	vld.idx.msk [tilespmem:v5+s17+$0x0], $0xffff  }
0x58: {  	v10 =	vnsel vm12, $0x3D, v10;
	v27 =	vsel vm3, $0x0, v27;
	v5 =	vld [tilespmem:s5+$0xFFFFFFE0];
	v32 =	vmul.f32 v9, v1  }
0x59: {  	v37 =	vld.idx.msk [tilespmem:v18+s15+$0x0], $0xffff;
	v30 =	vadd.f32 v30, v0;
	v31 =	vadd.f32 v31, v0;
	v34 =	vmul.f32 v6, v1  }
0x5a: {  	vm2 =	vle.f32 v7, v3;
	vm3 =	vle.f32 v6, v3;
	v32 =	vadd.f32 v32, v0  }
0x5b: {  	v34 =	vadd.f32 v34, v0;
	v30 =	vmin.f32 v30, v2;
	v31 =	vmin.f32 v31, v2  }
0x5c: {  	vm5 =	vle.f32 v9, v3;
	v30 =	vadd.f32 $9.999998800e-01, v30;
	v31 =	vadd.f32 $9.999998800e-01, v31  }
0x5d: {  	v61 =	vld.idx.msk [tilespmem:v18+s17+$0x0], $0xffff;
	v20 =	vmul.f32 v20, v4;
	v29 =	vmul.f32 v5, v1;
	vm1 =	vle.f32 v5, v3  }
0x5e: {  	s18 =	simm.s32 $0x140;
	v40 =	vld.idx.msk [tilespmem:v27+s15+$0x0], $0xffff;
	v32 =	vmin.f32 v32, v2;
	v34 =	vmin.f32 v34, v2;
	v16 =	vmul.f32 v37, v16  }
0x5f: {  	v42 =	vld [tilespmem:s18+$0x30];
	v34 =	vadd.f32 $9.999998800e-01, v34;
	v32 =	vadd.f32 $9.999998800e-01, v32;
	v30 =	vtrunc.f32 v30  }
0x60: {  	v4 =	vld [tilespmem:s5+$0xFFFFFFD0];
	v31 =	vtrunc.f32 v31;
	v20 =	vadd.f32 v21, v20;
	v21 =	vsel vm4, $0x0, v10  }
0x61: {  	v35 =	vld.idx.msk [tilespmem:v25+s15+$0x0], $0xffff;
	v29 =	vadd.f32 v29, v0;
	vm4 =	vle.f32 v8, v3;
	v30 =	vcvt.f32.s32 v30  }
0x62: {  	v27 =	vld.idx.msk [tilespmem:v27+s17+$0x0], $0xffff;
	v31 =	vcvt.f32.s32 v31;
	v37 =	vadd.f32 v61, v16;
	v34 =	vtrunc.f32 v34  }
0x63: {  	v38 =	vld.idx.msk [tilespmem:v23+s15+$0x0], $0xffff;
	v32 =	vtrunc.f32 v32;
	v22 =	vmul.f32 v40, v22;
	v29 =	vmin.f32 v29, v2  }
0x64: {  	v10 =	vld [tilespmem:s5+$0x20];
	v34 =	vcvt.f32.s32 v34;
	v32 =	vcvt.f32.s32 v32;
	vm10 =	vlt.s32 v30, $0x3D  }
0x65: {  	v25 =	vld.idx.msk [tilespmem:v25+s17+$0x0], $0xffff;
	vm11 =	vlt.s32 v31, $0x3D;
	v28 =	vmul.f32 v4, v1;
	vm0 =	vle.f32 v4, v3  }
0x66: {  	v39 =	vld.idx.msk [tilespmem:v24+s15+$0x0], $0xffff;
	v29 =	vadd.f32 $9.999998800e-01, v29;
	v30 =	vnsel vm10, $0x3D, v30;
	v31 =	vnsel vm11, $0x3D, v31  }
0x67: {  	v44 =	vadd.f32 v27, v22;
	v22 =	vld.idx.msk [tilespmem:v23+s17+$0x0], $0xffff;
	v23 =	vmul.f32 v42, v1;
	v27 =	vmul.f32 v35, v17  }
0x68: {  	vm7 =	vlt.s32 v34, $0x3D;
	vm12 =	vlt.s32 v32, $0x3D;
	v31 =	vsel vm4, $0x0, v31  }
0x69: {  	v24 =	vld.idx.msk [tilespmem:v24+s17+$0x0], $0xffff;
	v28 =	vadd.f32 v28, v0;
	v33 =	vmul.f32 v10, v1;
	v29 =	vtrunc.f32 v29  }
0x6a: {  	v43 =	vld.idx.msk [tilespmem:v19+s15+$0x0], $0xffff;
	vm6 =	vle.f32 v10, v3;
	v34 =	vnsel vm7, $0x3D, v34;
	v32 =	vnsel vm12, $0x3D, v32  }
0x6b: {  	v17 =	vld [tilespmem:s18+$0xFFFFFFD0];
	v23 =	vadd.f32 v23, v0;
	v62 =	vadd.f32 v25, v27;
	v25 =	vmul.f32 v38, v12  }
0x6c: {  	v27 =	vmul.f32 v39, v15;
	v29 =	vcvt.f32.s32 v29;
	v34 =	vsel vm3, $0x0, v34  }
0x6d: {  	v35 =	vsel vm5, $0x0, v32;
	v28 =	vmin.f32 v28, v2;
	v33 =	vadd.f32 v33, v0  }
0x6e: {  	v12 =	vld [tilespmem:s18+$0x0];
	v15 =	vmin.f32 v23, v2;
	v40 =	vadd.f32 v24, v27;
	v28 =	vadd.f32 $9.999998800e-01, v28  }
0x6f: {  	vm9 =	vlt.s32 v29, $0x3D;
	v23 =	vadd.f32 $9.999998800e-01, v15;
	v15 =	vmul.f32 v43, v14  }
0x70: {  	v38 =	vadd.f32 v22, v25;
	v22 =	vmul.f32 v17, v1;
	v33 =	vmin.f32 v33, v2  }
0x71: {  	v29 =	vnsel vm9, $0x3D, v29;
	v28 =	vtrunc.f32 v28;
	v33 =	vadd.f32 $9.999998800e-01, v33  }
0x72: {  	v36 =	vld.idx.msk [tilespmem:v26+s15+$0x0], $0xffff;
	v23 =	vtrunc.f32 v23;
	v22 =	vadd.f32 v22, v0;
	v28 =	vcvt.f32.s32 v28  }
0x73: {  	v26 =	vld.idx.msk [tilespmem:v26+s17+$0x0], $0xffff;
	v29 =	vsel vm1, $0x0, v29;
	v27 =	vmul.f32 v12, v1;
	v23 =	vcvt.f32.s32 v23  }
0x74: {  	v16 =	vld [tilespmem:s18+$0xFFFFFFC0];
	v33 =	vtrunc.f32 v33;
	v22 =	vmin.f32 v22, v2;
	vm8 =	vlt.s32 v28, $0x3D  }
0x75: {  	v41 =	vld.idx.msk [tilespmem:v21+s15+$0x0], $0xffff;
	v33 =	vcvt.f32.s32 v33;
	vm3 =	vlt.s32 v23, $0x3D;
	v55 =	vadd.f32 $9.999998800e-01, v22  }
0x76: {  	v14 =	vld [tilespmem:s18+$0x20];
	v28 =	vnsel vm8, $0x3D, v28;
	v23 =	vnsel vm3, $0x3D, v23;
	vm3 =	vle.f32 v42, v3  }
0x77: {  	v21 =	vld.idx.msk [tilespmem:v21+s17+$0x0], $0xffff;
	vm7 =	vlt.s32 v33, $0x3D;
	v45 =	vsel vm0, $0x0, v28;
	v28 =	vmul.f32 v36, v11  }
0x78: {  	v11 =	vld [tilespmem:s18+$0xFFFFFFF0];
	v63 =	vsel vm3, $0x0, v23;
	v43 =	vtrunc.f32 v55;
	v18 =	vnsel vm7, $0x3D, v33  }
0x79: {  	s0 =	simm.s32 $0x8040;
	v33 =	vsel vm2, $0x0, v30;
	v30 =	vmul.f32 v16, v1;
	v46 =	vsel vm6, $0x0, v18;
	v18 =	vld [tilespmem:s18+$0xFFFFFFE0]  }
0x7a: {  	[tilespmem:s0+$0x30] =	vst v20;
	v20 =	vcvt.f32.s32 v43;
	v36 =	vadd.f32 v26, v28;
	v26 =	vmul.f32 v41, v13;
	v13 =	vld [tilespmem:s18+$0x10]  }
0x7b: {  	vm5 =	vle.f32 v14, v3;
	vm3 =	vle.f32 v12, v3;
	v54 =	vadd.f32 v30, v0  }
0x7c: {  	vm2 =	vle.f32 v17, v3;
	vm6 =	vle.f32 v16, v3;
	vm15 =	vlt.s32 v20, $0x3D  }
0x7d: {  	v52 =	vadd.f32 v21, v26;
	v25 =	vmul.f32 v11, v1;
	v41 =	vmin.f32 v54, v2;
	v47 =	vld.idx.msk [tilespmem:v63+s15+$0x0], $0xffff  }
0x7e: {  	vm1 =	vle.f32 v11, v3;
	v59 =	vld.idx.msk [tilespmem:v63+s17+$0x0], $0xffff;
	v63 =	vnsel vm15, $0x3D, v20;
	v41 =	vadd.f32 $9.999998800e-01, v41  }
0x7f: {  	v24 =	vmul.f32 v18, v1;
	vm0 =	vle.f32 v18, v3;
	v28 =	vmul.f32 v13, v1  }
0x80: {  	v30 =	vld.idx.msk [tilespmem:v19+s17+$0x0], $0xffff;
	v23 =	vadd.f32 v25, v0;
	v25 =	vadd.f32 v27, v0;
	v27 =	vmul.f32 v14, v1  }
0x81: {  	v19 =	vld.idx.msk [tilespmem:v34+s15+$0x0], $0xffff;
	vm4 =	vle.f32 v13, v3;
	v41 =	vtrunc.f32 v41;
	v24 =	vadd.f32 v24, v0  }
0x82: {  	v26 =	vld.idx.msk [tilespmem:v35+s15+$0x0], $0xffff;
	v28 =	vadd.f32 v28, v0;
	v27 =	vadd.f32 v27, v0;
	v23 =	vmin.f32 v23, v2  }
0x83: {  	v22 =	vld.idx.msk [tilespmem:v45+s15+$0x0], $0xffff;
	v25 =	vmin.f32 v25, v2;
	v41 =	vcvt.f32.s32 v41;
	v49 =	vadd.f32 $9.999998800e-01, v23  }
0x84: {  	v32 =	vld.idx.msk [tilespmem:v45+s17+$0x0], $0xffff;
	v50 =	vadd.f32 $9.999998800e-01, v25;
	v42 =	vmul.f32 v47, v42;
	v24 =	vmin.f32 v24, v2  }
0x85: {  	v20 =	vld.idx.msk [tilespmem:v46+s17+$0x0], $0xffff;
	v28 =	vmin.f32 v28, v2;
	v27 =	vmin.f32 v27, v2;
	vm7 =	vlt.s32 v41, $0x3D  }
0x86: {  	v23 =	vld.idx.msk [tilespmem:v29+s15+$0x0], $0xffff;
	v48 =	vadd.f32 $9.999998800e-01, v24;
	v28 =	vadd.f32 $9.999998800e-01, v28;
	v49 =	vtrunc.f32 v49  }
0x87: {  	v25 =	vld.idx.msk [tilespmem:v31+s15+$0x0], $0xffff;
	v51 =	vadd.f32 $9.999998800e-01, v27;
	v50 =	vtrunc.f32 v50;
	v58 =	vcvt.f32.s32 v49  }
0x88: {  	[tilespmem:s0+$0xFFFFFFC0] =	vst v62;
	v29 =	vld.idx.msk [tilespmem:v29+s17+$0x0], $0xffff;
	v62 =	vnsel vm7, $0x3D, v41;
	v60 =	vcvt.f32.s32 v50;
	v48 =	vtrunc.f32 v48  }
0x89: {  	[tilespmem:s0+$0xFFFFFFE0] =	vst v37;
	v24 =	vld.idx.msk [tilespmem:v33+s15+$0x0], $0xffff;
	v37 =	vadd.f32 v59, v42;
	v21 =	vtrunc.f32 v28;
	v56 =	vtrunc.f32 v51  }
0x8a: {  	s30 =	simm.s32 $0x80C0;
	[tilespmem:s0+$0xFFFFFFD0] =	vst v36;
	v27 =	vld.idx.msk [tilespmem:v46+s15+$0x0], $0xffff;
	v36 =	vsel vm6, $0x0, v62;
	v57 =	vcvt.f32.s32 v48;
	v61 =	vcvt.f32.s32 v21  }
0x8b: {  	[tilespmem:s30+$0x30] =	vst v44;
	v33 =	vld.idx.msk [tilespmem:v33+s17+$0x0], $0xffff;
	v47 =	vcvt.f32.s32 v56;
	vm7 =	vlt.s32 v58, $0x3D;
	vm13 =	vlt.s32 v60, $0x3D  }
0x8c: {  	s29 =	sshll.u32 s28, $0xF;
	[tilespmem:s0+$0x0] =	vst v40;
	v21 =	vld.idx.msk [tilespmem:v35+s17+$0x0], $0xffff;
	v35 =	vsel vm2, $0x0, v63;
	v39 =	vnsel vm7, $0x3D, v58;
	v41 =	vnsel vm13, $0x3D, v60  }
0x8d: {  	s31 =	sor.u32 s9, s29;
	[tilespmem:s0+$0xFFFFFFF0] =	vst v38;
	v28 =	vld.idx.msk [tilespmem:v34+s17+$0x0], $0xffff;
	vm12 =	vlt.s32 v57, $0x3D;
	vm14 =	vlt.s32 v61, $0x3D;
	vm15 =	vlt.s32 v47, $0x3D  }
0x8e: {  	s3 =	simm.s32 $0x8140;
	s5 =	simm.s32 $0x1C0;
	s18 =	simm.s32 $0x100;
	[tilespmem:s0+$0x10] =	vst v52;
	v34 =	vld.idx.msk [tilespmem:v31+s17+$0x0], $0xffff;
	v38 =	vnsel vm12, $0x3D, v57;
	v40 =	vnsel vm14, $0x3D, v61;
	v42 =	vnsel vm15, $0x3D, v47  }
.LBB2_3:
0x8f: {  	v31 =	vld [tilespmem:s5+$0x30];
	s18 =	sadd.s32 $0x80, s18;
	v38 =	vsel vm0, $0x0, v38;
	v39 =	vsel vm1, $0x0, v39;
	v41 =	vsel vm3, $0x0, v41;
	[tilespmem:s3+$0x30] =	vst v37  }
0x90: {  	v40 =	vsel vm4, $0x0, v40;
	v42 =	vsel vm5, $0x0, v42;
	v19 =	vmul.f32 v19, v6;
	v6 =	vmovc v16;
	v37 =	vld [tilespmem:s5+$0xFFFFFFD0];
	p1 =	slt.u32 s18, $0x3F80  }
0x91: {  	v16 =	vmul.f32 v22, v4;
	v22 =	vmul.f32 v23, v5;
	v23 =	vadd.f32 v30, v15;
	v4 =	vmovc v17;
	v43 =	vld [tilespmem:s5+$0xFFFFFFE0]  }
0x92: {  	v7 =	vmul.f32 v24, v7;
	v8 =	vmul.f32 v25, v8;
	v5 =	vmovc v18;
	v17 =	vadd.f32 v28, v19;
	v30 =	vld [tilespmem:s5+$0xFFFFFFF0]  }
0x93: {  	v45 =	vmul.f32 v26, v9;
	v15 =	vmul.f32 v27, v10;
	v16 =	vadd.f32 v32, v16;
	v44 =	vld [tilespmem:s5+$0x0];
	[tilespmem:s0+$0x20] =	vst v23;
	s0 =	smov.u32 s30;
	s30 =	smov.u32 s3  }
0x94: {  	v7 =	vadd.f32 v33, v7;
	v10 =	vld [tilespmem:s5+$0x10];
	v9 =	vmul.f32 v31, v1;
	[tilespmem:s0+$0xFFFFFFC0] =	vst v17;
	v17 =	vadd.f32 v29, v22  }
0x95: {  	v8 =	vadd.f32 v34, v8;
	v18 =	vmul.f32 v37, v1;
	vm2 =	vle.f32 v37, v3;
	v46 =	vld [tilespmem:s5+$0x20];
	[tilespmem:s0+$0xFFFFFFD0] =	vst v16  }
0x96: {  	v16 =	vld [tilespmem:s5+$0xFFFFFFC0];
	v22 =	vmul.f32 v43, v1;
	vm0 =	vle.f32 v43, v3;
	v9 =	vadd.f32 v9, v0;
	[tilespmem:s0+$0xFFFFFFE0] =	vst v17  }
0x97: {  	v17 =	vadd.f32 v18, v0;
	v18 =	vmul.f32 v30, v1;
	vm1 =	vle.f32 v30, v3;
	v19 =	vld.idx.msk [tilespmem:v36+s15+$0x0], $0xffff  }
0x98: {  	v26 =	vadd.f32 v22, v0;
	v24 =	vmul.f32 v44, v1;
	v9 =	vmin.f32 v9, v2;
	v22 =	vld.idx.msk [tilespmem:v35+s15+$0x0], $0xffff  }
0x99: {  	v18 =	vadd.f32 v18, v0;
	v25 =	vmul.f32 v10, v1;
	v9 =	vadd.f32 $9.999998800e-01, v9;
	v23 =	vld.idx.msk [tilespmem:v38+s15+$0x0], $0xffff;
	[tilespmem:s0+$0xFFFFFFF0] =	vst v7  }
0x9a: {  	v29 =	vmin.f32 v17, v2;
	v7 =	vadd.f32 v24, v0;
	v32 =	vmul.f32 v46, v1;
	v24 =	vld.idx.msk [tilespmem:v39+s15+$0x0], $0xffff  }
0x9b: {  	v27 =	vmul.f32 v16, v1;
	v28 =	vadd.f32 v25, v0;
	v9 =	vtrunc.f32 v9;
	v25 =	vld.idx.msk [tilespmem:v41+s15+$0x0], $0xffff;
	[tilespmem:s0+$0x0] =	vst v8  }
0x9c: {  	v33 =	vmin.f32 v26, v2;
	v17 =	vmovc v37;
	v8 =	vadd.f32 v32, v0;
	v9 =	vcvt.f32.s32 v9;
	v26 =	vld.idx.msk [tilespmem:v40+s15+$0x0], $0xffff  }
0x9d: {  	v34 =	vmin.f32 v18, v2;
	v37 =	vmin.f32 v7, v2;
	v32 =	vadd.f32 v27, v0;
	v27 =	vld.idx.msk [tilespmem:v42+s15+$0x0], $0xffff  }
0x9e: {  	v47 =	vmin.f32 v28, v2;
	v18 =	vmovc v43;
	v48 =	vmin.f32 v8, v2;
	vm3 =	vlt.s32 v9, $0x3D;
	v28 =	vld.idx.msk [tilespmem:v36+s17+$0x0], $0xffff  }
0x9f: {  	v7 =	vmovc v11;
	v49 =	vmin.f32 v32, v2;
	v50 =	vnsel vm3, $0x3D, v9;
	vm3 =	vle.f32 v31, v3;
	v32 =	vld.idx.msk [tilespmem:v35+s17+$0x0], $0xffff  }
0xa0: {  	v36 =	vadd.f32 $9.999998800e-01, v29;
	v11 =	vmovc v30;
	v35 =	vadd.f32 $9.999998800e-01, v49;
	v43 =	vsel vm3, $0x0, v50;
	v29 =	vld.idx.msk [tilespmem:v38+s17+$0x0], $0xffff;
	v8 =	vmovc v12  }
0xa1: {  	vm6 =	vle.f32 v16, v3;
	v49 =	vadd.f32 $9.999998800e-01, v33;
	v38 =	vadd.f32 $9.999998800e-01, v34;
	v12 =	vmovc v44;
	v9 =	vmovc v13;
	v33 =	vld.idx.msk [tilespmem:v39+s17+$0x0], $0xffff  }
0xa2: {  	v37 =	vadd.f32 $9.999998800e-01, v37;
	v13 =	vmovc v10;
	v10 =	vmovc v14;
	v39 =	vadd.f32 $9.999998800e-01, v47;
	v35 =	vtrunc.f32 v35;
	v34 =	vld.idx.msk [tilespmem:v41+s17+$0x0], $0xffff  }
0xa3: {  	v30 =	vmovc v20;
	v36 =	vtrunc.f32 v36;
	v44 =	vadd.f32 $9.999998800e-01, v48;
	v14 =	vmovc v46;
	v41 =	vtrunc.f32 v49;
	v40 =	vld.idx.msk [tilespmem:v40+s17+$0x0], $0xffff  }
0xa4: {  	v37 =	vtrunc.f32 v37;
	vm3 =	vle.f32 v12, v3;
	v38 =	vtrunc.f32 v38;
	v20 =	vld.idx.msk [tilespmem:v42+s17+$0x0], $0xffff  }
0xa5: {  	vm4 =	vle.f32 v13, v3;
	v39 =	vtrunc.f32 v39;
	v42 =	vtrunc.f32 v44;
	v44 =	vld.idx.msk [tilespmem:v43+s15+$0x0], $0xffff  }
0xa6: {  	v36 =	vcvt.f32.s32 v36;
	vm5 =	vle.f32 v14, v3;
	v35 =	vcvt.f32.s32 v35  }
0xa7: {  	v41 =	vcvt.f32.s32 v41;
	v46 =	vcvt.f32.s32 v38;
	v38 =	vadd.f32 v21, v45;
	v43 =	vld.idx.msk [tilespmem:v43+s17+$0x0], $0xffff  }
0xa8: {  	v37 =	vcvt.f32.s32 v37;
	v45 =	vcvt.f32.s32 v39;
	vm7 =	vlt.s32 v35, $0x3D  }
0xa9: {  	vm8 =	vlt.s32 v36, $0x3D;
	vm9 =	vlt.s32 v41, $0x3D;
	v42 =	vcvt.f32.s32 v42;
	v21 =	vmovc v40;
	[tilespmem:s0+$0x10] =	vst v38  }
.Ltmp2:
0xaa: {  	vm11 =	vlt.s32 v37, $0x3D;
	vm10 =	vlt.s32 v46, $0x3D;
	vm12 =	vlt.s32 v45, $0x3D;
	(pc) =	sbr.rel @p1 .LBB2_3-.Ltmp2, $4  }
0xab: {  	v35 =	vnsel vm7, $0x3D, v35;
	vm7 =	vlt.s32 v42, $0x3D;
	v31 =	vmul.f32 v44, v31  }
0xac: {  	v39 =	vnsel vm10, $0x3D, v46;
	v38 =	vnsel vm9, $0x3D, v41;
	v44 =	vnsel vm8, $0x3D, v36  }
0xad: {  	v40 =	vnsel vm12, $0x3D, v45;
	v41 =	vnsel vm11, $0x3D, v37;
	v37 =	vadd.f32 v43, v31  }
0xae: {  	s3 =	sadd.s32 $0x80, s3;
	s5 =	sadd.s32 $0x80, s5;
	v42 =	vnsel vm7, $0x3D, v42;
	v36 =	vsel vm6, $0x0, v35;
	v35 =	vsel vm2, $0x0, v44  }
0xaf: {  	_ =	sdelay $0x1  }
0xb0: {  	v6 =	vmul.f32 v19, v6  }
0xb1: {  	v31 =	vsel vm0, $0x0, v38;
	v4 =	vmul.f32 v22, v4  }
0xb2: {  	v61 =	vsel vm1, $0x0, v39;
	v63 =	vld.idx.msk [tilespmem:v36+s15+$0x0], $0xffff;
	v6 =	vadd.f32 v28, v6  }
0xb3: {  	v62 =	vsel vm3, $0x0, v41;
	v43 =	vld.idx.msk [tilespmem:v35+s15+$0x0], $0xffff;
	v4 =	vadd.f32 v32, v4  }
0xb4: {  	v40 =	vsel vm4, $0x0, v40;
	[tilespmem:s30+$0xFFFFFFC0] =	vst v6;
	v6 =	vld.idx.msk [tilespmem:v36+s17+$0x0], $0xffff  }
0xb5: {  	v42 =	vsel vm5, $0x0, v42;
	[tilespmem:s30+$0xFFFFFFD0] =	vst v4;
	v4 =	vld.idx.msk [tilespmem:v35+s17+$0x0], $0xffff  }
0xb6: {  	v44 =	vld.idx.msk [tilespmem:v31+s15+$0x0], $0xffff  }
0xb7: {  	v5 =	vmul.f32 v23, v5;
	v19 =	vld.idx.msk [tilespmem:v61+s15+$0x0], $0xffff  }
0xb8: {  	v15 =	vadd.f32 v30, v15;
	v7 =	vmul.f32 v24, v7;
	v22 =	vld.idx.msk [tilespmem:v62+s15+$0x0], $0xffff  }
0xb9: {  	[tilespmem:s3+$0x30] =	vst v37;
	v8 =	vmul.f32 v25, v8;
	v5 =	vadd.f32 v29, v5;
	v23 =	vld.idx.msk [tilespmem:v40+s15+$0x0], $0xffff  }
0xba: {  	v9 =	vmul.f32 v26, v9;
	[tilespmem:s0+$0x20] =	vst v15;
	v7 =	vadd.f32 v33, v7;
	v15 =	vld.idx.msk [tilespmem:v42+s15+$0x0], $0xffff  }
0xbb: {  	v10 =	vmul.f32 v27, v10;
	v8 =	vadd.f32 v34, v8;
	[tilespmem:s30+$0xFFFFFFE0] =	vst v5;
	v5 =	vld.idx.msk [tilespmem:v31+s17+$0x0], $0xffff  }
0xbc: {  	v9 =	vadd.f32 v21, v9;
	[tilespmem:s30+$0xFFFFFFF0] =	vst v7;
	v7 =	vld.idx.msk [tilespmem:v61+s17+$0x0], $0xffff;
	v16 =	vmul.f32 v63, v16  }
0xbd: {  	v10 =	vadd.f32 v20, v10;
	[tilespmem:s30+$0x0] =	vst v8;
	v8 =	vld.idx.msk [tilespmem:v62+s17+$0x0], $0xffff;
	v17 =	vmul.f32 v43, v17  }
0xbe: {  	[tilespmem:s30+$0x10] =	vst v9;
	v20 =	vld.idx.msk [tilespmem:v40+s17+$0x0], $0xffff;
	v6 =	vadd.f32 v6, v16;
	v9 =	vmul.f32 v44, v18  }
0xbf: {  	[tilespmem:s30+$0x20] =	vst v10;
	v16 =	vld.idx.msk [tilespmem:v42+s17+$0x0], $0xffff;
	v4 =	vadd.f32 v4, v17;
	v11 =	vmul.f32 v19, v11  }
0xc0: {  	v10 =	vmul.f32 v22, v12;
	[tilespmem:s3+$0xFFFFFFC0] =	vst v6;
	v5 =	vadd.f32 v5, v9  }
0xc1: {  	v6 =	vmul.f32 v23, v13;
	[tilespmem:s3+$0xFFFFFFD0] =	vst v4;
	v7 =	vadd.f32 v7, v11  }
0xc2: {  	v4 =	vmul.f32 v15, v14;
	v8 =	vadd.f32 v8, v10;
	[tilespmem:s3+$0xFFFFFFE0] =	vst v5  }
0xc3: {  	[tilespmem:s3+$0xFFFFFFF0] =	vst v7;
	v5 =	vadd.f32 v20, v6  }
0xc4: {  	[tilespmem:s3+$0x0] =	vst v8;
	v4 =	vadd.f32 v16, v4  }
0xc5: {  	s18 =	sshrl.u32 s31, $0x3;
	[tilespmem:s3+$0x10] =	vst v5  }
0xc6: {  	p1 =	seq.s32 s28, $0xF;
	s0 =	sadd.s32 s2, s18;
	[tilespmem:s3+$0x20] =	vst v4  }
0xc7: {  	[hbm4b:s0+s4] =	stream.linear.scatter [tilespmem:s21], [sflag:$0x3], $0x4000, $0x38;
	[tilespmem:$0x10180] =	vst v63  }
0xc8: {  	s0 =	sadd.s32 @!p1 s29, s12  }
0xc9: {  	s0 =	sshrl.u32 @!p1 s0, $0x3  }
0xca: {  	s3 =	simm.s32 @!p1 $0x0;
	s0 =	sadd.s32 @!p1 s1, s0  }
0xcb: {  	[tilespmem:s3], [sflag:$0x1] =	stream.linear.gather @!p1 [hbm4b:s0+s3], $0x4000, $0x38;
	[tilespmem:$0x10180] =	vst v63  }
0xcc: {  	_ =	swait.ge [sflag:s22], $0x4000  }
0xcd: {  	[sflag:s22] =	ssyncset.done $0x0  }
0xce: {  	s0 =	simm.s32 @!p0 $0x4;
	[sflag:s22] =	ssyncadd.s32 $0xFFFFC000  }
0xcf: {  	_ =	swait.ge @!p0 [sflag:s0], $0x4000  }
0xd0: {  	[sflag:s0] =	ssyncset.done @!p0 $0x0  }
0xd1: {  	s3 =	simm.s32 $0x4040;
	[sflag:s0] =	ssyncadd.s32 @!p0 $0xFFFFC000  }
0xd2: {  	v4 =	vld [tilespmem:s3+$0x30]  }
0xd3: {  	v11 =	vld [tilespmem:s3+$0xFFFFFFD0]  }
0xd4: {  	v16 =	vld [tilespmem:s3+$0xFFFFFFE0]  }
0xd5: {  	v12 =	vld [tilespmem:s3+$0xFFFFFFF0]  }
0xd6: {  	v15 =	vld [tilespmem:s3+$0x0]  }
0xd7: {  	v13 =	vld [tilespmem:s3+$0x10]  }
0xd8: {  	v14 =	vld [tilespmem:s3+$0x20]  }
0xd9: {  	s5 =	simm.s32 $0x40C0;
	v17 =	vld [tilespmem:s3+$0xFFFFFFC0]  }
0xda: {  	v22 =	vld [tilespmem:s5+$0x30];
	v5 =	vmul.f32 v4, v1;
	v6 =	vmul.f32 v11, v1  }
0xdb: {  	v7 =	vmul.f32 v16, v1;
	v8 =	vmul.f32 v12, v1  }
0xdc: {  	v9 =	vmul.f32 v15, v1;
	v10 =	vmul.f32 v13, v1  }
0xdd: {  	v18 =	vmul.f32 v14, v1;
	v5 =	vadd.f32 v5, v0;
	v6 =	vadd.f32 v6, v0  }
0xde: {  	v19 =	vmul.f32 v17, v1;
	v7 =	vadd.f32 v7, v0;
	v8 =	vadd.f32 v8, v0  }
0xdf: {  	v27 =	vmul.f32 v22, v1;
	v9 =	vadd.f32 v9, v0;
	v10 =	vadd.f32 v10, v0  }
0xe0: {  	v18 =	vadd.f32 v18, v0;
	v19 =	vadd.f32 v19, v0  }
0xe1: {  	v27 =	vadd.f32 v27, v0;
	v5 =	vmin.f32 v5, v2;
	v6 =	vmin.f32 v6, v2  }
0xe2: {  	v7 =	vmin.f32 v7, v2;
	v8 =	vmin.f32 v8, v2;
	v9 =	vmin.f32 v9, v2  }
0xe3: {  	v10 =	vmin.f32 v10, v2;
	v19 =	vmin.f32 v19, v2;
	v5 =	vadd.f32 $9.999998800e-01, v5  }
0xe4: {  	v18 =	vmin.f32 v18, v2;
	v19 =	vadd.f32 $9.999998800e-01, v19;
	v6 =	vadd.f32 $9.999998800e-01, v6  }
0xe5: {  	v27 =	vmin.f32 v27, v2;
	v7 =	vadd.f32 $9.999998800e-01, v7;
	v8 =	vadd.f32 $9.999998800e-01, v8  }
0xe6: {  	v9 =	vadd.f32 $9.999998800e-01, v9;
	v10 =	vadd.f32 $9.999998800e-01, v10;
	v5 =	vtrunc.f32 v5  }
0xe7: {  	v18 =	vadd.f32 $9.999998800e-01, v18;
	v19 =	vtrunc.f32 v19;
	v6 =	vtrunc.f32 v6  }
0xe8: {  	v27 =	vadd.f32 $9.999998800e-01, v27;
	v7 =	vtrunc.f32 v7;
	v8 =	vtrunc.f32 v8  }
0xe9: {  	v9 =	vtrunc.f32 v9;
	v10 =	vtrunc.f32 v10  }
0xea: {  	vm0 =	vle.f32 v11, v3;
	v18 =	vtrunc.f32 v18;
	v27 =	vtrunc.f32 v27  }
0xeb: {  	vm1 =	vle.f32 v16, v3;
	v5 =	vcvt.f32.s32 v5;
	v19 =	vcvt.f32.s32 v19  }
0xec: {  	vm2 =	vle.f32 v12, v3;
	v6 =	vcvt.f32.s32 v6;
	v7 =	vcvt.f32.s32 v7  }
0xed: {  	vm5 =	vle.f32 v17, v3;
	v8 =	vcvt.f32.s32 v8;
	v9 =	vcvt.f32.s32 v9  }
0xee: {  	vm6 =	vle.f32 v14, v3;
	v18 =	vcvt.f32.s32 v18;
	v27 =	vcvt.f32.s32 v27  }
0xef: {  	vm3 =	vlt.s32 v5, $0x3D;
	vm7 =	vlt.s32 v19, $0x3D;
	vm8 =	vlt.s32 v6, $0x3D  }
0xf0: {  	vm9 =	vlt.s32 v7, $0x3D;
	vm10 =	vlt.s32 v8, $0x3D;
	vm11 =	vlt.s32 v9, $0x3D  }
0xf1: {  	v5 =	vnsel vm3, $0x3D, v5;
	vm3 =	vle.f32 v4, v3;
	v19 =	vnsel vm7, $0x3D, v19  }
0xf2: {  	vm7 =	vlt.s32 v18, $0x3D;
	v6 =	vnsel vm8, $0x3D, v6;
	v23 =	vnsel vm9, $0x3D, v7  }
0xf3: {  	v24 =	vnsel vm10, $0x3D, v8;
	v9 =	vnsel vm11, $0x3D, v9;
	v7 =	vld [tilespmem:s5+$0xFFFFFFF0];
	v5 =	vsel vm3, $0x0, v5  }
0xf4: {  	v8 =	vld [tilespmem:s5+$0x0];
	vm3 =	vle.f32 v15, v3;
	v26 =	vsel vm0, $0x0, v6;
	v6 =	vnsel vm7, $0x3D, v18  }
0xf5: {  	v18 =	vsel vm1, $0x0, v23;
	v23 =	vsel vm2, $0x0, v24;
	v24 =	vsel vm3, $0x0, v9;
	v9 =	vld [tilespmem:s5+$0x10]  }
0xf6: {  	v10 =	vcvt.f32.s32 v10;
	v25 =	vsel vm5, $0x0, v19;
	v19 =	vsel vm6, $0x0, v6;
	v6 =	vld [tilespmem:s5+$0xFFFFFFC0]  }
0xf7: {  	vm3 =	vlt.s32 v27, $0x3D  }
0xf8: {  	vm4 =	vle.f32 v13, v3;
	vm12 =	vlt.s32 v10, $0x3D;
	v27 =	vnsel vm3, $0x3D, v27;
	v20 =	vld.idx.msk [tilespmem:v5+s15+$0x0], $0xffff  }
0xf9: {  	vm3 =	vle.f32 v22, v3;
	v30 =	vmul.f32 v7, v1;
	v31 =	vmul.f32 v8, v1;
	v21 =	vld.idx.msk [tilespmem:v5+s17+$0x0], $0xffff  }
0xfa: {  	v10 =	vnsel vm12, $0x3D, v10;
	v27 =	vsel vm3, $0x0, v27;
	v5 =	vld [tilespmem:s5+$0xFFFFFFE0];
	v48 =	vmul.f32 v9, v1  }
0xfb: {  	v53 =	vld.idx.msk [tilespmem:v18+s15+$0x0], $0xffff;
	v30 =	vadd.f32 v30, v0;
	v31 =	vadd.f32 v31, v0;
	v50 =	vmul.f32 v6, v1  }
0xfc: {  	vm2 =	vle.f32 v7, v3;
	vm3 =	vle.f32 v6, v3;
	v32 =	vadd.f32 v48, v0  }
0xfd: {  	v34 =	vadd.f32 v50, v0;
	v30 =	vmin.f32 v30, v2;
	v31 =	vmin.f32 v31, v2  }
0xfe: {  	vm5 =	vle.f32 v9, v3;
	v30 =	vadd.f32 $9.999998800e-01, v30;
	v31 =	vadd.f32 $9.999998800e-01, v31  }
0xff: {  	v60 =	vld.idx.msk [tilespmem:v18+s17+$0x0], $0xffff;
	v20 =	vmul.f32 v20, v4;
	v29 =	vmul.f32 v5, v1;
	vm1 =	vle.f32 v5, v3  }
0x100: {  	s18 =	simm.s32 $0x4140;
	v56 =	vld.idx.msk [tilespmem:v27+s15+$0x0], $0xffff;
	v32 =	vmin.f32 v32, v2;
	v34 =	vmin.f32 v34, v2;
	v16 =	vmul.f32 v53, v16  }
0x101: {  	v58 =	vld [tilespmem:s18+$0x30];
	v34 =	vadd.f32 $9.999998800e-01, v34;
	v32 =	vadd.f32 $9.999998800e-01, v32;
	v30 =	vtrunc.f32 v30  }
0x102: {  	v4 =	vld [tilespmem:s5+$0xFFFFFFD0];
	v31 =	vtrunc.f32 v31;
	v20 =	vadd.f32 v21, v20;
	v21 =	vsel vm4, $0x0, v10  }
0x103: {  	v51 =	vld.idx.msk [tilespmem:v25+s15+$0x0], $0xffff;
	v29 =	vadd.f32 v29, v0;
	vm4 =	vle.f32 v8, v3;
	v30 =	vcvt.f32.s32 v30  }
0x104: {  	v27 =	vld.idx.msk [tilespmem:v27+s17+$0x0], $0xffff;
	v31 =	vcvt.f32.s32 v31;
	v37 =	vadd.f32 v60, v16;
	v34 =	vtrunc.f32 v34  }
0x105: {  	v54 =	vld.idx.msk [tilespmem:v23+s15+$0x0], $0xffff;
	v32 =	vtrunc.f32 v32;
	v22 =	vmul.f32 v56, v22;
	v29 =	vmin.f32 v29, v2  }
0x106: {  	v10 =	vld [tilespmem:s5+$0x20];
	v34 =	vcvt.f32.s32 v34;
	v32 =	vcvt.f32.s32 v32;
	vm10 =	vlt.s32 v30, $0x3D  }
0x107: {  	v25 =	vld.idx.msk [tilespmem:v25+s17+$0x0], $0xffff;
	vm11 =	vlt.s32 v31, $0x3D;
	v28 =	vmul.f32 v4, v1;
	vm0 =	vle.f32 v4, v3  }
0x108: {  	v55 =	vld.idx.msk [tilespmem:v24+s15+$0x0], $0xffff;
	v29 =	vadd.f32 $9.999998800e-01, v29;
	v30 =	vnsel vm10, $0x3D, v30;
	v31 =	vnsel vm11, $0x3D, v31  }
0x109: {  	v61 =	vadd.f32 v27, v22;
	v22 =	vld.idx.msk [tilespmem:v23+s17+$0x0], $0xffff;
	v23 =	vmul.f32 v58, v1;
	v27 =	vmul.f32 v51, v17  }
0x10a: {  	vm7 =	vlt.s32 v34, $0x3D;
	vm12 =	vlt.s32 v32, $0x3D;
	v31 =	vsel vm4, $0x0, v31  }
0x10b: {  	v24 =	vld.idx.msk [tilespmem:v24+s17+$0x0], $0xffff;
	v28 =	vadd.f32 v28, v0;
	v49 =	vmul.f32 v10, v1;
	v29 =	vtrunc.f32 v29  }
0x10c: {  	v59 =	vld.idx.msk [tilespmem:v19+s15+$0x0], $0xffff;
	vm6 =	vle.f32 v10, v3;
	v34 =	vnsel vm7, $0x3D, v34;
	v32 =	vnsel vm12, $0x3D, v32  }
0x10d: {  	v17 =	vld [tilespmem:s18+$0xFFFFFFD0];
	v23 =	vadd.f32 v23, v0;
	v62 =	vadd.f32 v25, v27;
	v25 =	vmul.f32 v54, v12  }
0x10e: {  	v27 =	vmul.f32 v55, v15;
	v29 =	vcvt.f32.s32 v29;
	v34 =	vsel vm3, $0x0, v34  }
0x10f: {  	v35 =	vsel vm5, $0x0, v32;
	v28 =	vmin.f32 v28, v2;
	v33 =	vadd.f32 v49, v0  }
0x110: {  	v12 =	vld [tilespmem:s18+$0x0];
	v15 =	vmin.f32 v23, v2;
	v40 =	vadd.f32 v24, v27;
	v28 =	vadd.f32 $9.999998800e-01, v28  }
0x111: {  	vm9 =	vlt.s32 v29, $0x3D;
	v23 =	vadd.f32 $9.999998800e-01, v15;
	v15 =	vmul.f32 v59, v14  }
0x112: {  	v38 =	vadd.f32 v22, v25;
	v22 =	vmul.f32 v17, v1;
	v33 =	vmin.f32 v33, v2  }
0x113: {  	v29 =	vnsel vm9, $0x3D, v29;
	v28 =	vtrunc.f32 v28;
	v33 =	vadd.f32 $9.999998800e-01, v33  }
0x114: {  	v52 =	vld.idx.msk [tilespmem:v26+s15+$0x0], $0xffff;
	v23 =	vtrunc.f32 v23;
	v22 =	vadd.f32 v22, v0;
	v28 =	vcvt.f32.s32 v28  }
0x115: {  	v26 =	vld.idx.msk [tilespmem:v26+s17+$0x0], $0xffff;
	v29 =	vsel vm1, $0x0, v29;
	v27 =	vmul.f32 v12, v1;
	v23 =	vcvt.f32.s32 v23  }
0x116: {  	v16 =	vld [tilespmem:s18+$0xFFFFFFC0];
	v33 =	vtrunc.f32 v33;
	v22 =	vmin.f32 v22, v2;
	vm8 =	vlt.s32 v28, $0x3D  }
0x117: {  	v57 =	vld.idx.msk [tilespmem:v21+s15+$0x0], $0xffff;
	v33 =	vcvt.f32.s32 v33;
	vm3 =	vlt.s32 v23, $0x3D;
	v55 =	vadd.f32 $9.999998800e-01, v22  }
0x118: {  	v14 =	vld [tilespmem:s18+$0x20];
	v28 =	vnsel vm8, $0x3D, v28;
	v23 =	vnsel vm3, $0x3D, v23;
	vm3 =	vle.f32 v58, v3  }
0x119: {  	v21 =	vld.idx.msk [tilespmem:v21+s17+$0x0], $0xffff;
	vm7 =	vlt.s32 v33, $0x3D;
	v45 =	vsel vm0, $0x0, v28;
	v28 =	vmul.f32 v52, v11  }
0x11a: {  	v11 =	vld [tilespmem:s18+$0xFFFFFFF0];
	v63 =	vsel vm3, $0x0, v23;
	v43 =	vtrunc.f32 v55;
	v18 =	vnsel vm7, $0x3D, v33  }
0x11b: {  	s0 =	simm.s32 $0xC040;
	v33 =	vsel vm2, $0x0, v30;
	v30 =	vmul.f32 v16, v1;
	v46 =	vsel vm6, $0x0, v18;
	v18 =	vld [tilespmem:s18+$0xFFFFFFE0]  }
0x11c: {  	[tilespmem:s0+$0x30] =	vst v20;
	v20 =	vcvt.f32.s32 v43;
	v36 =	vadd.f32 v26, v28;
	v26 =	vmul.f32 v57, v13;
	v13 =	vld [tilespmem:s18+$0x10]  }
0x11d: {  	vm5 =	vle.f32 v14, v3;
	vm3 =	vle.f32 v12, v3;
	v54 =	vadd.f32 v30, v0  }
0x11e: {  	vm2 =	vle.f32 v17, v3;
	vm6 =	vle.f32 v16, v3;
	vm15 =	vlt.s32 v20, $0x3D  }
0x11f: {  	v52 =	vadd.f32 v21, v26;
	v25 =	vmul.f32 v11, v1;
	v41 =	vmin.f32 v54, v2;
	v47 =	vld.idx.msk [tilespmem:v63+s15+$0x0], $0xffff  }
0x120: {  	vm1 =	vle.f32 v11, v3;
	v59 =	vld.idx.msk [tilespmem:v63+s17+$0x0], $0xffff;
	v63 =	vnsel vm15, $0x3D, v20;
	v41 =	vadd.f32 $9.999998800e-01, v41  }
0x121: {  	v24 =	vmul.f32 v18, v1;
	vm0 =	vle.f32 v18, v3;
	v28 =	vmul.f32 v13, v1  }
0x122: {  	v30 =	vld.idx.msk [tilespmem:v19+s17+$0x0], $0xffff;
	v23 =	vadd.f32 v25, v0;
	v25 =	vadd.f32 v27, v0;
	v27 =	vmul.f32 v14, v1  }
0x123: {  	v19 =	vld.idx.msk [tilespmem:v34+s15+$0x0], $0xffff;
	vm4 =	vle.f32 v13, v3;
	v41 =	vtrunc.f32 v41;
	v24 =	vadd.f32 v24, v0  }
0x124: {  	v26 =	vld.idx.msk [tilespmem:v35+s15+$0x0], $0xffff;
	v28 =	vadd.f32 v28, v0;
	v27 =	vadd.f32 v27, v0;
	v23 =	vmin.f32 v23, v2  }
0x125: {  	v22 =	vld.idx.msk [tilespmem:v45+s15+$0x0], $0xffff;
	v25 =	vmin.f32 v25, v2;
	v41 =	vcvt.f32.s32 v41;
	v49 =	vadd.f32 $9.999998800e-01, v23  }
0x126: {  	v32 =	vld.idx.msk [tilespmem:v45+s17+$0x0], $0xffff;
	v50 =	vadd.f32 $9.999998800e-01, v25;
	v42 =	vmul.f32 v47, v58;
	v24 =	vmin.f32 v24, v2  }
0x127: {  	v20 =	vld.idx.msk [tilespmem:v46+s17+$0x0], $0xffff;
	v28 =	vmin.f32 v28, v2;
	v27 =	vmin.f32 v27, v2;
	vm7 =	vlt.s32 v41, $0x3D  }
0x128: {  	v23 =	vld.idx.msk [tilespmem:v29+s15+$0x0], $0xffff;
	v48 =	vadd.f32 $9.999998800e-01, v24;
	v28 =	vadd.f32 $9.999998800e-01, v28;
	v49 =	vtrunc.f32 v49  }
0x129: {  	[tilespmem:s0+$0xFFFFFFE0] =	vst v37;
	v25 =	vld.idx.msk [tilespmem:v31+s15+$0x0], $0xffff;
	v51 =	vadd.f32 $9.999998800e-01, v27;
	v50 =	vtrunc.f32 v50;
	v58 =	vcvt.f32.s32 v49  }
0x12a: {  	s30 =	simm.s32 $0xC0C0;
	[tilespmem:s0+$0xFFFFFFC0] =	vst v62;
	v29 =	vld.idx.msk [tilespmem:v29+s17+$0x0], $0xffff;
	v62 =	vnsel vm7, $0x3D, v41;
	v60 =	vcvt.f32.s32 v50;
	v48 =	vtrunc.f32 v48  }
0x12b: {  	[tilespmem:s30+$0x30] =	vst v61;
	v24 =	vld.idx.msk [tilespmem:v33+s15+$0x0], $0xffff;
	v37 =	vadd.f32 v59, v42;
	v21 =	vtrunc.f32 v28;
	v56 =	vtrunc.f32 v51  }
0x12c: {  	[tilespmem:s0+$0xFFFFFFD0] =	vst v36;
	v27 =	vld.idx.msk [tilespmem:v46+s15+$0x0], $0xffff;
	v36 =	vsel vm6, $0x0, v62;
	v57 =	vcvt.f32.s32 v48;
	v61 =	vcvt.f32.s32 v21  }
0x12d: {  	v33 =	vld.idx.msk [tilespmem:v33+s17+$0x0], $0xffff;
	v47 =	vcvt.f32.s32 v56;
	vm7 =	vlt.s32 v58, $0x3D;
	vm13 =	vlt.s32 v60, $0x3D  }
0x12e: {  	[tilespmem:s0+$0x0] =	vst v40;
	v21 =	vld.idx.msk [tilespmem:v35+s17+$0x0], $0xffff;
	v35 =	vsel vm2, $0x0, v63;
	v39 =	vnsel vm7, $0x3D, v58;
	v41 =	vnsel vm13, $0x3D, v60  }
0x12f: {  	s31 =	sor.u32 s29, s8;
	[tilespmem:s0+$0xFFFFFFF0] =	vst v38;
	v28 =	vld.idx.msk [tilespmem:v34+s17+$0x0], $0xffff;
	vm12 =	vlt.s32 v57, $0x3D;
	vm14 =	vlt.s32 v61, $0x3D;
	vm15 =	vlt.s32 v47, $0x3D  }
0x130: {  	s3 =	simm.s32 $0xC140;
	s5 =	simm.s32 $0x41C0;
	s18 =	simm.s32 $0x100;
	[tilespmem:s0+$0x10] =	vst v52;
	v34 =	vld.idx.msk [tilespmem:v31+s17+$0x0], $0xffff;
	v38 =	vnsel vm12, $0x3D, v57;
	v40 =	vnsel vm14, $0x3D, v61;
	v42 =	vnsel vm15, $0x3D, v47  }
.LBB2_5:
0x131: {  	v31 =	vld [tilespmem:s5+$0x30];
	s18 =	sadd.s32 $0x80, s18;
	v38 =	vsel vm0, $0x0, v38;
	v39 =	vsel vm1, $0x0, v39;
	v41 =	vsel vm3, $0x0, v41;
	[tilespmem:s3+$0x30] =	vst v37  }
0x132: {  	v40 =	vsel vm4, $0x0, v40;
	v42 =	vsel vm5, $0x0, v42;
	v19 =	vmul.f32 v19, v6;
	v6 =	vmovc v16;
	v37 =	vld [tilespmem:s5+$0xFFFFFFD0];
	p0 =	slt.u32 s18, $0x3F80  }
0x133: {  	v16 =	vmul.f32 v22, v4;
	v22 =	vmul.f32 v23, v5;
	v23 =	vadd.f32 v30, v15;
	v4 =	vmovc v17;
	v43 =	vld [tilespmem:s5+$0xFFFFFFE0]  }
0x134: {  	v7 =	vmul.f32 v24, v7;
	v8 =	vmul.f32 v25, v8;
	v5 =	vmovc v18;
	v17 =	vadd.f32 v28, v19;
	v30 =	vld [tilespmem:s5+$0xFFFFFFF0]  }
0x135: {  	v45 =	vmul.f32 v26, v9;
	v15 =	vmul.f32 v27, v10;
	v16 =	vadd.f32 v32, v16;
	v44 =	vld [tilespmem:s5+$0x0];
	[tilespmem:s0+$0x20] =	vst v23;
	s0 =	smov.u32 s30;
	s30 =	smov.u32 s3  }
0x136: {  	v7 =	vadd.f32 v33, v7;
	v10 =	vld [tilespmem:s5+$0x10];
	v9 =	vmul.f32 v31, v1;
	[tilespmem:s0+$0xFFFFFFC0] =	vst v17;
	v17 =	vadd.f32 v29, v22  }
0x137: {  	v8 =	vadd.f32 v34, v8;
	v18 =	vmul.f32 v37, v1;
	vm2 =	vle.f32 v37, v3;
	v46 =	vld [tilespmem:s5+$0x20];
	[tilespmem:s0+$0xFFFFFFD0] =	vst v16  }
0x138: {  	v16 =	vld [tilespmem:s5+$0xFFFFFFC0];
	v22 =	vmul.f32 v43, v1;
	vm0 =	vle.f32 v43, v3;
	v9 =	vadd.f32 v9, v0;
	[tilespmem:s0+$0xFFFFFFE0] =	vst v17  }
0x139: {  	v17 =	vadd.f32 v18, v0;
	v18 =	vmul.f32 v30, v1;
	vm1 =	vle.f32 v30, v3;
	v19 =	vld.idx.msk [tilespmem:v36+s15+$0x0], $0xffff  }
0x13a: {  	v26 =	vadd.f32 v22, v0;
	v24 =	vmul.f32 v44, v1;
	v9 =	vmin.f32 v9, v2;
	v22 =	vld.idx.msk [tilespmem:v35+s15+$0x0], $0xffff  }
0x13b: {  	v18 =	vadd.f32 v18, v0;
	v25 =	vmul.f32 v10, v1;
	v9 =	vadd.f32 $9.999998800e-01, v9;
	v23 =	vld.idx.msk [tilespmem:v38+s15+$0x0], $0xffff;
	[tilespmem:s0+$0xFFFFFFF0] =	vst v7  }
0x13c: {  	v29 =	vmin.f32 v17, v2;
	v7 =	vadd.f32 v24, v0;
	v32 =	vmul.f32 v46, v1;
	v24 =	vld.idx.msk [tilespmem:v39+s15+$0x0], $0xffff  }
0x13d: {  	v27 =	vmul.f32 v16, v1;
	v28 =	vadd.f32 v25, v0;
	v9 =	vtrunc.f32 v9;
	v25 =	vld.idx.msk [tilespmem:v41+s15+$0x0], $0xffff;
	[tilespmem:s0+$0x0] =	vst v8  }
0x13e: {  	v33 =	vmin.f32 v26, v2;
	v17 =	vmovc v37;
	v8 =	vadd.f32 v32, v0;
	v9 =	vcvt.f32.s32 v9;
	v26 =	vld.idx.msk [tilespmem:v40+s15+$0x0], $0xffff  }
0x13f: {  	v34 =	vmin.f32 v18, v2;
	v37 =	vmin.f32 v7, v2;
	v32 =	vadd.f32 v27, v0;
	v27 =	vld.idx.msk [tilespmem:v42+s15+$0x0], $0xffff  }
0x140: {  	v47 =	vmin.f32 v28, v2;
	v18 =	vmovc v43;
	v48 =	vmin.f32 v8, v2;
	vm3 =	vlt.s32 v9, $0x3D;
	v28 =	vld.idx.msk [tilespmem:v36+s17+$0x0], $0xffff  }
0x141: {  	v7 =	vmovc v11;
	v49 =	vmin.f32 v32, v2;
	v50 =	vnsel vm3, $0x3D, v9;
	vm3 =	vle.f32 v31, v3;
	v32 =	vld.idx.msk [tilespmem:v35+s17+$0x0], $0xffff  }
0x142: {  	v36 =	vadd.f32 $9.999998800e-01, v29;
	v11 =	vmovc v30;
	v35 =	vadd.f32 $9.999998800e-01, v49;
	v43 =	vsel vm3, $0x0, v50;
	v29 =	vld.idx.msk [tilespmem:v38+s17+$0x0], $0xffff;
	v8 =	vmovc v12  }
0x143: {  	vm6 =	vle.f32 v16, v3;
	v49 =	vadd.f32 $9.999998800e-01, v33;
	v38 =	vadd.f32 $9.999998800e-01, v34;
	v12 =	vmovc v44;
	v9 =	vmovc v13;
	v33 =	vld.idx.msk [tilespmem:v39+s17+$0x0], $0xffff  }
0x144: {  	v37 =	vadd.f32 $9.999998800e-01, v37;
	v13 =	vmovc v10;
	v10 =	vmovc v14;
	v39 =	vadd.f32 $9.999998800e-01, v47;
	v35 =	vtrunc.f32 v35;
	v34 =	vld.idx.msk [tilespmem:v41+s17+$0x0], $0xffff  }
0x145: {  	v30 =	vmovc v20;
	v36 =	vtrunc.f32 v36;
	v44 =	vadd.f32 $9.999998800e-01, v48;
	v14 =	vmovc v46;
	v41 =	vtrunc.f32 v49;
	v40 =	vld.idx.msk [tilespmem:v40+s17+$0x0], $0xffff  }
0x146: {  	v37 =	vtrunc.f32 v37;
	vm3 =	vle.f32 v12, v3;
	v38 =	vtrunc.f32 v38;
	v20 =	vld.idx.msk [tilespmem:v42+s17+$0x0], $0xffff  }
0x147: {  	vm4 =	vle.f32 v13, v3;
	v39 =	vtrunc.f32 v39;
	v42 =	vtrunc.f32 v44;
	v44 =	vld.idx.msk [tilespmem:v43+s15+$0x0], $0xffff  }
0x148: {  	v36 =	vcvt.f32.s32 v36;
	vm5 =	vle.f32 v14, v3;
	v35 =	vcvt.f32.s32 v35  }
0x149: {  	v41 =	vcvt.f32.s32 v41;
	v46 =	vcvt.f32.s32 v38;
	v38 =	vadd.f32 v21, v45;
	v43 =	vld.idx.msk [tilespmem:v43+s17+$0x0], $0xffff  }
0x14a: {  	v37 =	vcvt.f32.s32 v37;
	v45 =	vcvt.f32.s32 v39;
	vm7 =	vlt.s32 v35, $0x3D  }
0x14b: {  	vm8 =	vlt.s32 v36, $0x3D;
	vm9 =	vlt.s32 v41, $0x3D;
	v42 =	vcvt.f32.s32 v42;
	v21 =	vmovc v40;
	[tilespmem:s0+$0x10] =	vst v38  }
.Ltmp3:
0x14c: {  	vm11 =	vlt.s32 v37, $0x3D;
	vm10 =	vlt.s32 v46, $0x3D;
	vm12 =	vlt.s32 v45, $0x3D;
	(pc) =	sbr.rel @p0 .LBB2_5-.Ltmp3, $4  }
0x14d: {  	v35 =	vnsel vm7, $0x3D, v35;
	vm7 =	vlt.s32 v42, $0x3D;
	v31 =	vmul.f32 v44, v31  }
0x14e: {  	v39 =	vnsel vm10, $0x3D, v46;
	v38 =	vnsel vm9, $0x3D, v41;
	v44 =	vnsel vm8, $0x3D, v36  }
0x14f: {  	v40 =	vnsel vm12, $0x3D, v45;
	v41 =	vnsel vm11, $0x3D, v37;
	v37 =	vadd.f32 v43, v31  }
0x150: {  	s3 =	sadd.s32 $0x80, s3;
	s5 =	sadd.s32 $0x80, s5;
	v42 =	vnsel vm7, $0x3D, v42;
	v36 =	vsel vm6, $0x0, v35;
	v35 =	vsel vm2, $0x0, v44  }
0x151: {  	_ =	sdelay $0x2  }
0x152: {  	v31 =	vsel vm0, $0x0, v38;
	v4 =	vmul.f32 v22, v4  }
0x153: {  	v49 =	vsel vm1, $0x0, v39;
	v51 =	vld.idx.msk [tilespmem:v36+s15+$0x0], $0xffff  }
0x154: {  	v50 =	vsel vm3, $0x0, v41;
	v43 =	vld.idx.msk [tilespmem:v35+s15+$0x0], $0xffff;
	v4 =	vadd.f32 v32, v4  }
0x155: {  	v40 =	vsel vm4, $0x0, v40;
	v56 =	vld.idx.msk [tilespmem:v36+s17+$0x0], $0xffff  }
0x156: {  	v42 =	vsel vm5, $0x0, v42;
	[tilespmem:s30+$0xFFFFFFD0] =	vst v4;
	v4 =	vld.idx.msk [tilespmem:v35+s17+$0x0], $0xffff  }
0x157: {  	v6 =	vmul.f32 v19, v6;
	v44 =	vld.idx.msk [tilespmem:v31+s15+$0x0], $0xffff  }
0x158: {  	v15 =	vadd.f32 v30, v15;
	v5 =	vmul.f32 v23, v5;
	v52 =	vld.idx.msk [tilespmem:v49+s15+$0x0], $0xffff  }
0x159: {  	[tilespmem:s3+$0x30] =	vst v37;
	v7 =	vmul.f32 v24, v7;
	v6 =	vadd.f32 v28, v6;
	v53 =	vld.idx.msk [tilespmem:v50+s15+$0x0], $0xffff  }
0x15a: {  	v8 =	vmul.f32 v25, v8;
	[tilespmem:s0+$0x20] =	vst v15;
	v5 =	vadd.f32 v29, v5;
	v54 =	vld.idx.msk [tilespmem:v40+s15+$0x0], $0xffff  }
0x15b: {  	v9 =	vmul.f32 v26, v9;
	v7 =	vadd.f32 v33, v7;
	[tilespmem:s30+$0xFFFFFFC0] =	vst v6;
	v55 =	vld.idx.msk [tilespmem:v42+s15+$0x0], $0xffff  }
0x15c: {  	v10 =	vmul.f32 v27, v10;
	v8 =	vadd.f32 v34, v8;
	[tilespmem:s30+$0xFFFFFFE0] =	vst v5;
	v5 =	vld.idx.msk [tilespmem:v31+s17+$0x0], $0xffff  }
0x15d: {  	v9 =	vadd.f32 v21, v9;
	[tilespmem:s30+$0xFFFFFFF0] =	vst v7;
	v57 =	vld.idx.msk [tilespmem:v49+s17+$0x0], $0xffff;
	v16 =	vmul.f32 v51, v16  }
0x15e: {  	v10 =	vadd.f32 v20, v10;
	[tilespmem:s30+$0x0] =	vst v8;
	v58 =	vld.idx.msk [tilespmem:v50+s17+$0x0], $0xffff;
	v17 =	vmul.f32 v43, v17  }
0x15f: {  	[tilespmem:s30+$0x10] =	vst v9;
	v61 =	vld.idx.msk [tilespmem:v42+s17+$0x0], $0xffff;
	v6 =	vadd.f32 v56, v16;
	v60 =	vmul.f32 v44, v18  }
0x160: {  	[tilespmem:s30+$0x20] =	vst v10;
	v59 =	vld.idx.msk [tilespmem:v40+s17+$0x0], $0xffff;
	v4 =	vadd.f32 v4, v17;
	v11 =	vmul.f32 v52, v11  }
0x161: {  	[tilespmem:s3+$0xFFFFFFC0] =	vst v6;
	v62 =	vmul.f32 v53, v12;
	v5 =	vadd.f32 v5, v60  }
0x162: {  	[tilespmem:s3+$0xFFFFFFD0] =	vst v4;
	v4 =	vmul.f32 v55, v14;
	v7 =	vadd.f32 v57, v11  }
0x163: {  	v63 =	vmul.f32 v54, v13;
	v8 =	vadd.f32 v58, v62;
	[tilespmem:s3+$0xFFFFFFE0] =	vst v5  }
.Ltmp4:
0x164: {  	v4 =	vadd.f32 v61, v4;
	[tilespmem:s3+$0xFFFFFFF0] =	vst v7;
	(pc) =	sbr.rel @p1 .LBB2_8-.Ltmp4, $4  }
0x165: {  	s31 =	sshrl.u32 s31, $0x3;
	v5 =	vadd.f32 v59, v63;
	[tilespmem:s3+$0x0] =	vst v8  }
0x166: {  	s0 =	sor.u32 $0x200800, s31;
	[tilespmem:s3+$0x20] =	vst v4  }
0x167: {  	s0 =	sadd.s32 s2, s0;
	[tilespmem:s3+$0x10] =	vst v5  }
0x168: {  	[hbm4b:s0+s4] =	stream.linear.scatter [tilespmem:s23], [sflag:$0x4], $0x4000, $0x38;
	[tilespmem:$0x10180] =	vst v63  }
.Ltmp5:
0x169: {  	(pc) =	sbr.rel .LBB2_2-.Ltmp5, $4  }
0x16a: {  	s0 =	sadd.s32 s29, s13  }
0x16b: {  	s0 =	sshrl.u32 s0, $0x3  }
0x16c: {  	s28 =	sadd.s32 $0x1, s28;
	s0 =	sadd.s32 s1, s0  }
0x16d: {  	[tilespmem:s19], [sflag:$0x2] =	stream.linear.gather [hbm4b:s0+s4], $0x4000, $0x38;
	[tilespmem:$0x10180] =	vst v63  }
.LBB2_9:
0x16e: {  	_ =	sfence.sel $0x180000  }
0x16f: {  	[bflag:$0x0] =	sbarrier.arrive $0xFFFF  }
0x170: {  	_ =	strace $0x9000004A  }
0x171: {  	s0 =	stileid.u32;
	[bflag:$0x2] =	sbarrier.arrive $0xFFFF  }
0x172: {  	p0 =	sne.s32 s0, $0x0;
	s0 =	rddreg [dreg:$0x3]  }
0x173: {  	s0 =	sadd.s32 @!p0 $0x100000, s0  }
0x174: {  	[sflag:s0] =	ssyncadd.tile.s32 @!p0 $0x1;
	_ =	shalt  }
.Lfunc_end2:
_tile_overlayer_lowered:
.L_overlay_start_2:
0x175: {  	(tag) =	ssettag $0x2  }
0x176: {  	s0 =	rddreg [dreg:$0x0];
	s2 =	stileid.u32  }
0x177: {  	s1 =	rddreg [dreg:$0x1];
	p0 =	sne.s32 s2, $0x0  }
0x178: {  	s3 =	rddreg [dreg:$0x2];
	[bflag:$0x3] =	sbarrier.arrive $0xFFFF;
	s2 =	simm.s32 @!p0 $0x1C05  }
0x179: {  	[timem:s3], [sflag:s2] =	dma.local @!p0 [hbm:s0], s1  }
0x17a: {  	s0 =	simm.s32 @!p0 $0x5  }
0x17b: {  	_ =	swait.ge @!p0 [sflag:s0], s1  }
0x17c: {  	s1 =	ssub.s32 @!p0 $0x0, s1;
	[sflag:s0] =	ssyncset.done @!p0 $0x0  }
0x17d: {  	[sflag:s0] =	ssyncadd.s32 @!p0 s1  }
0x17e: {  	[bflag:$0x3] =	sbarrier.arrive $0xFFFF  }
0x17f: {  	_ =	shalt  }

// kernel: sparse-core-data-format-call.cloned.1.call-start
scs
called_computation_lowered:
.L_overlay_start_0:
0x0: {  	s1 =	sld [smem:$0x3FD9]  }
0x1: {  	s2 =	sld [smem:$0x3FFE];
	_ =	sdelay $0x1  }
0x2: {  	s3 =	srdreg.scid  }
0x3: {  	s0 =	sand.u32 $0x1, s3  }
0x4: {  	s17 =	sshll.u32 s0, $0xA;
	s1 =	sadd.s32 s2, s1  }
0x5: {  	s1 =	sadd.s32 s1, s17  }
0x6: {  	[smem:$0x3FC5] =	sst s1  }
0x7: {  	_ = 	snop  }
0x8: {  	(tm) =	ssettm $0x1  }
0x9: {  	s18 =	sld [smem:$0x3FFB];
	_ =	sdelay $0x3  }
0xa: {  	_ =	strace s18  }
0xb: {  	s1 =	sld [smem:$0x3FFC];
	_ =	sdelay $0x3  }
0xc: {  	_ =	strace s1  }
0xd: {  	s1 =	sld [smem:$0x3FFD];
	_ =	sdelay $0x3  }
0xe: {  	_ =	strace s1  }
0xf: {  	_ =	strace $0x8FFFFFFF  }
0x10: {  	s19 =	sld [smem:$0x3FDB];
	_ =	sdelay $0x1  }
0x11: {  	s20 =	simm.s32 $_scs_section_size  }
0x12: {  	s4 =	simm.s32 $_size__tile_overlayer_lowered;
	s5 =	simm.s32 $_tile_overlayer_lowered  }
0x13: {  	s23 =	simm.s32 $0x1BFF;
	s22 =	sshll.u32 s5, $0x1;
	s1 =	sadd.s32 s20, s19  }
0x14: {  	s6 =	simm.s32 $0x0;
	s21 =	sshll.u32 s4, $0x1;
	s4 =	sadd.s32 s22, s1  }
0x15: {  	[timem:s6], [sflag:s23] =	dma.local [hbm:s4], s21  }
0x16: {  	_ =	swait.ge [sflag:s23], s21  }
0x17: {  	s2 =	ssub.s32 $0x0, s21;
	[sflag:s23] =	ssyncset.done $0x0  }
0x18: {  	[sflag:s23] =	ssyncadd.s32 s2;
	_ =	sdelay $0x1  }
0x19: {  	s24 =	simm.s32 $0x1B8B  }
0x1a: {  	_ =	swait.ge [sflag:s24], $0x1  }
0x1b: {  	[sflag:s24] =	ssyncset.done $0x0  }
0x1c: {  	s26 =	simm.s32 $0x1B8E;
	s25 =	sld [smem:$0x3FFE];
	[sflag:s24] =	ssyncadd.s32 $0xFFFFFFFF  }
0x1d: {  	s27 =	simm.s32 $execute0_lowered;
	[smem:$0x3FD2] =	sst s26  }
0x1e: {  	s4 =	sshll.u32 s27, $0x1;
	_ =	strace $0x80000046;
	[dreg:$0x1] =	wrdreg $0xFFFFFFFF  }
0x1f: {  	s28 =	simm.s32 $_size_execute0_lowered;
	s1 =	sadd.s32 s1, s4;
	[dreg:$0x0] =	wrdreg $0x0  }
0x20: {  	s4 =	sshll.u32 s28, $0x1;
	[dreg:$0x2] =	wrdreg s1  }
0x21: {  	[dreg:$0x3] =	wrdreg s4  }
0x22: {  	[dreg:$0x4] =	wrdreg $0xC0  }
0x23: {  	_ =	task [dreg:s6], $0x5FFFF  }
0x24: {  	[dreg:$0x1] =	wrdreg $0xFFFFFFFF  }
0x25: {  	[dreg:$0x0] =	wrdreg $0x60  }
0x26: {  	[dreg:$0x2] =	wrdreg s25  }
0x27: {  	[dreg:$0x3] =	wrdreg $0x9  }
0x28: {  	_ =	task.clear_ibuf [dreg:s6], $0x4FFFF;
	_ =	strace $0x90000046  }
0x29: {  	s29 =	simm.s32 $0x9;
	_ =	strace $0x80000048  }
0x2a: {  	_ =	swait.ge [sflag:s29], $0x1  }
0x2b: {  	[sflag:s29] =	ssyncadd.s32 $0xFFFFFFFF  }
0x2c: {  	_ =	strace $0x90000048  }
0x2d: {  	_ =	sfence  }
0x2e: {  	s30 =	sld [smem:$0x0];
	_ =	sdelay $0x2  }
0x2f: {  	s31 =	sshll.u32 s3, $0xD;
	s3 =	sshrl.u32 s3, $0x2  }
0x30: {  	s2 =	sand.u32 $0x4000, s31;
	s1 =	sadd.s32 s3, s30  }
0x31: {  	s0 =	sor.u32 s2, s0;
	s1 =	sshll.u32 s1, $0x11  }
0x32: {  	s0 =	sor.u32 s1, s0  }
0x33: {  	s0 =	sadd.s32 $0x8F2B, s0  }
0x34: {  	[sflag:s0] =	ssyncadd.remote.s32 $0x1  }
0x35: {  	_ =	sfence.sel $0xFFFF  }
0x36: {  	[dreg:$0x0] =	wrdreg $0xFFFFFFFF;
	(pc) =	sbr.abs _section_cstart, $3  }
0x37: {  	[dreg:$0x1] =	wrdreg $0xFFFFFFFF  }
0x38: {  	_ =	task.clear_ibuf [dreg:s6], $0x2FFFF;
	_ =	strace $0x9FFFFFFF  }
0x39: {  	(tm) =	ssettm $0x7FFFFFFF  }
tec
execute0_lowered:
.L_overlay_start_1:
0x0: {  	(tag) =	ssettag $0x1  }
0x1: {  	s0 =	srdreg.scid  }
0x2: {  	s1 =	sshll.u32 s0, $0x4  }
0x3: {  	s4 =	rddreg [dreg:$0x0];
	s0 =	stileid.u32;
	s1 =	sand.u32 $0x10, s1  }
0x4: {  	s7 =	simm.s32 $0x1;
	s8 =	simm.s32 $0x2;
	s1 =	sor.u32 s0, s1  }
0x5: {  	s9 =	simm.s32 $0x0;
	s12 =	simm.s32 $0x0;
	s2 =	sshll.u32 s1, $0x1  }
0x6: {  	s11 =	simm.s32 $0x0;
	s3 =	sadd.s32 $0x2400, s4;
	s6 =	ssub.s32 $0x800, s2  }
.Ltmp0:
0x7: {  	s4 =	sadd.s32 $0x202400, s4;
	s5 =	sand.u32 $0x3E, s6;
	(pc) =	sbr.rel .LBB1_1-.Ltmp0, $4  }
0x8: {  	s1 =	rddreg [dreg:$0x1];
	_ =	strace $0x80000047;
	p0 =	sne.s32 s5, $0x0  }
0x9: {  	s6 =	sshrl.u32 s6, $0x6;
	s5 =	simm.s32 $0x1;
	s7 =	simm.s32 @!p0 $0x0  }
0xa: {  	s10 =	smov.u32 s2;
	[sflag:s5] =	ssyncpa.u1 $0x0;
	s6 =	sadd.s32 s7, s6  }
0xb: {  	[sflag:s8] =	ssyncpa.u1 $0x0;
	s8 =	simm.s32 $0x0;
	s7 =	sadd.s32 $0x1, s6  }
.LBB1_9:
0xc: {  	s14 =	sadd.s32 $0x40, s10  }
0xd: {  	p1 =	sgt.s32 s14, $0x7FF  }
0xe: {  	s14 =	smov.u32 @p1 s2;
	p1 =	sne.s32 s11, s7  }
.Ltmp1:
0xf: {  	p0 =	slt.u32 s11, $0x2;
	(pc) =	sbr.rel @!p1 .LBB1_10-.Ltmp1, $4  }
0x10: {  	s13 =	simm.s32 @!p0 $0x2  }
0x11: {  	s15 =	sadd.s32 $0x1, s11;
	_ =	swait.ge @!p0 [sflag:s13], $0x4000  }
0x12: {  	s12 =	smov.u32 s10;
	s9 =	sadd.s32 $0x4000, s9;
	[sflag:s13] =	ssyncset.done @!p0 $0x0  }
0x13: {  	s11 =	smov.u32 s15;
	s10 =	smov.u32 s14;
	[sflag:s13] =	ssyncadd.s32 @!p0 $0xFFFFC000  }
.LBB1_1:
0x14: {  	p0 =	sge.u32 s11, s6  }
0x15: {  	s13 =	sxor.u32 @!p0 $0xFFFFFFFF, s11  }
0x16: {  	s31 =	sadd.s32 $0xFFFFFFFF, s11;
	s14 =	sshll.u32 @!p0 s10, $0xA;
	s13 =	sshll.u32 @!p0 s13, $0xE  }
0x17: {  	s15 =	simm.s32 @!p0 $0x0;
	s14 =	sadd.s32 @!p0 s3, s14;
	s13 =	sand.u32 @!p0 $0x4000, s13  }
0x18: {  	[tilespmem:s13], [sflag:$0x1] =	stream.linear.gather @!p0 [hbm4b:s14+s15], $0x4000, $0x38;
	[tilespmem:$0x10000] =	vst v63  }
0x19: {  	p0 =	sge.u32 s31, s6  }
.Ltmp2:
0x1a: {  	_ = 	snop;
	(pc) =	sbr.rel @p0 .LBB1_9-.Ltmp2, $1  }
0x1b: {  	_ =	sdelay $0x3  }
0x1c: {  	s13 =	sshll.u32 s9, $0x2  }
0x1d: {  	_ =	swait.ge [sflag:s5], $0x4000;
	s14 =	sshll.u32 s11, $0xE;
	s16 =	simm.s32 $0x0  }
0x1e: {  	p1 =	por $0x1, $0x1;
	s13 =	sand.u32 $0x10000, s13;
	[sflag:s5] =	ssyncset.done $0x0  }
0x1f: {  	s14 =	sand.u32 $0x4000, s14;
	s15 =	sshrl.u32 s13, $0x2;
	[sflag:s5] =	ssyncadd.s32 $0xFFFFC000  }
0x20: {  	s13 =	sor.u32 $0x8000, s14;
	s14 =	sadd.s32 $0x8040, s15;
	s15 =	sadd.s32 $0x40, s15  }
.LBB1_3:
0x21: {  	s16 =	sshll.u32 s16, $0x2  }
0x22: {  	p0 =	por p1, p1;
	s17 =	sshra.s32 s16, $0x2  }
0x23: {  	s18 =	simm.s32 $0x0;
	s16 =	sadd.s32 s17, s14;
	s17 =	sadd.s32 s17, s15  }
.LBB1_4:
0x24: {  	v0 =	vmov s17;
	_ =	sdelay $0x3  }
0x25: {  	s20 =	simm.s32 $0x0  }
0x26: {  	v6 =	vld.idx.msk [tilespmem:v0+s20+$0x30 ss:$0x1], $0xffff  }
0x27: {  	v7 =	vld.idx.msk [tilespmem:v0+s20+$0xFFFFFFC0 ss:$0x1], $0xffff  }
0x28: {  	v5 =	vld.idx.msk [tilespmem:v0+s20+$0xFFFFFFD0 ss:$0x1], $0xffff  }
0x29: {  	v4 =	vld.idx.msk [tilespmem:v0+s20+$0xFFFFFFE0 ss:$0x1], $0xffff  }
0x2a: {  	v3 =	vld.idx.msk [tilespmem:v0+s20+$0xFFFFFFF0 ss:$0x1], $0xffff  }
0x2b: {  	v1 =	vld.idx.msk [tilespmem:v0+s20+$0x0 ss:$0x1], $0xffff  }
0x2c: {  	v2 =	vld.idx.msk [tilespmem:v0+s20+$0x10 ss:$0x1], $0xffff;
	[tilespmem:s16+$0x30] =	vst v6  }
0x2d: {  	s19 =	simm.s32 $0x80;
	s21 =	simm.s32 $0x400;
	[tilespmem:s16+$0xFFFFFFC0] =	vst v7;
	v6 =	vld.idx.msk [tilespmem:v0+s20+$0x20 ss:$0x1], $0xffff;
	s20 =	smov.u32 s16  }
.LBB1_5:
0x2e: {  	p1 =	sne.s32 s21, $0xE00;
	v7 =	vld.idx.msk [tilespmem:v0+s19+$0x30 ss:$0x1], $0xffff;
	[tilespmem:s20+$0xFFFFFFD0] =	vst v5  }
0x2f: {  	v8 =	vld.idx.msk [tilespmem:v0+s19+$0xFFFFFFC0 ss:$0x1], $0xffff;
	[tilespmem:s20+$0xFFFFFFE0] =	vst v4  }
0x30: {  	v5 =	vld.idx.msk [tilespmem:v0+s19+$0xFFFFFFD0 ss:$0x1], $0xffff;
	[tilespmem:s20+$0xFFFFFFF0] =	vst v3  }
.Ltmp3:
0x31: {  	v4 =	vld.idx.msk [tilespmem:v0+s19+$0xFFFFFFE0 ss:$0x1], $0xffff;
	[tilespmem:s20+$0x0] =	vst v1;
	(pc) =	sbr.rel @p1 .LBB1_5-.Ltmp3, $4  }
0x32: {  	v3 =	vld.idx.msk [tilespmem:v0+s19+$0xFFFFFFF0 ss:$0x1], $0xffff;
	[tilespmem:s20+$0x10] =	vst v2  }
0x33: {  	v1 =	vld.idx.msk [tilespmem:v0+s19+$0x0 ss:$0x1], $0xffff;
	[tilespmem:s20+$0x20] =	vst v6;
	s20 =	sadd.s32 $0x400, s20  }
0x34: {  	v2 =	vld.idx.msk [tilespmem:v0+s19+$0x10 ss:$0x1], $0xffff;
	[tilespmem:s20+$0x30] =	vst v7  }
0x35: {  	[tilespmem:s20+$0xFFFFFFC0] =	vst v8;
	v6 =	vld.idx.msk [tilespmem:v0+s19+$0x20 ss:$0x1], $0xffff;
	s19 =	sshra.s32 s21, $0x2;
	s21 =	sadd.s32 $0x200, s21  }
0x36: {  	_ =	sdelay $0x2  }
0x37: {  	[tilespmem:s20+$0xFFFFFFD0] =	vst v5  }
0x38: {  	v56 =	vld.idx.msk [tilespmem:v0+s19+$0x30 ss:$0x1], $0xffff;
	[tilespmem:s20+$0xFFFFFFE0] =	vst v4  }
0x39: {  	v57 =	vld.idx.msk [tilespmem:v0+s19+$0xFFFFFFC0 ss:$0x1], $0xffff;
	[tilespmem:s20+$0xFFFFFFF0] =	vst v3  }
0x3a: {  	v58 =	vld.idx.msk [tilespmem:v0+s19+$0xFFFFFFD0 ss:$0x1], $0xffff;
	[tilespmem:s20+$0x0] =	vst v1  }
0x3b: {  	v59 =	vld.idx.msk [tilespmem:v0+s19+$0xFFFFFFE0 ss:$0x1], $0xffff;
	[tilespmem:s20+$0x10] =	vst v2  }
0x3c: {  	v60 =	vld.idx.msk [tilespmem:v0+s19+$0xFFFFFFF0 ss:$0x1], $0xffff;
	s31 =	sadd.s32 $0x400, s20;
	[tilespmem:s20+$0x20] =	vst v6  }
0x3d: {  	v61 =	vld.idx.msk [tilespmem:v0+s19+$0x0 ss:$0x1], $0xffff;
	[tilespmem:s31+$0x30] =	vst v56  }
0x3e: {  	v62 =	vld.idx.msk [tilespmem:v0+s19+$0x10 ss:$0x1], $0xffff;
	s18 =	sadd.s32 $0x1, s18;
	[tilespmem:s31+$0xFFFFFFC0] =	vst v57  }
0x3f: {  	v63 =	vld.idx.msk [tilespmem:v0+s19+$0x20 ss:$0x1], $0xffff;
	p1 =	sne.s32 s18, $0x8;
	[tilespmem:s31+$0xFFFFFFD0] =	vst v58  }
.Ltmp4:
0x40: {  	[tilespmem:s31+$0xFFFFFFE0] =	vst v59;
	(pc) =	sbr.rel @p1 .LBB1_4-.Ltmp4, $4  }
0x41: {  	[tilespmem:s31+$0xFFFFFFF0] =	vst v60  }
0x42: {  	[tilespmem:s31+$0x0] =	vst v61  }
0x43: {  	[tilespmem:s31+$0x10] =	vst v62  }
0x44: {  	s16 =	sadd.s32 $0x80, s16;
	s17 =	sadd.s32 $0x400, s17;
	[tilespmem:s31+$0x20] =	vst v63  }
.Ltmp5:
0x45: {  	(pc) =	sbr.rel @p0 .LBB1_3-.Ltmp5, $2  }
0x46: {  	_ =	sdelay $0x2  }
0x47: {  	s16 =	simm.s32 $0x2000;
	p1 =	por $0x0, $0x0  }
.Ltmp6:
0x48: {  	(pc) =	sbr.rel .LBB1_9-.Ltmp6, $4  }
0x49: {  	_ = 	snop  }
0x4a: {  	s12 =	sshll.u32 s12, $0xA  }
0x4b: {  	s12 =	sadd.s32 s4, s12  }
0x4c: {  	[hbm4b:s12+s8] =	stream.linear.scatter [tilespmem:s13], [sflag:$0x2], $0x4000, $0x38;
	[tilespmem:$0x10000] =	vst v63  }
.LBB1_10:
0x4d: {  	_ =	sfence.sel $0x180000  }
0x4e: {  	s2 =	simm.s32 $0x1;
	[bflag:$0x0] =	sbarrier.arrive $0xFFFF  }
0x4f: {  	s31 =	simm.s32 $0x2;
	[sflag:s2] =	ssyncpa.u1 $0x1  }
0x50: {  	[sflag:s31] =	ssyncpa.u1 $0x1  }
0x51: {  	p0 =	sne.s32 s0, $0x0;
	_ =	strace $0x90000047  }
0x52: {  	s0 =	sadd.s32 @!p0 $0x100000, s1;
	[bflag:$0x2] =	sbarrier.arrive $0xFFFF  }
0x53: {  	[sflag:s0] =	ssyncadd.tile.s32 @!p0 $0x1;
	_ =	shalt  }
.Lfunc_end1:
_tile_overlayer_lowered:
.L_overlay_start_2:
0x54: {  	(tag) =	ssettag $0x2  }
0x55: {  	s0 =	rddreg [dreg:$0x0];
	s2 =	stileid.u32  }
0x56: {  	s1 =	rddreg [dreg:$0x1];
	p0 =	sne.s32 s2, $0x0  }
0x57: {  	s3 =	rddreg [dreg:$0x2];
	[bflag:$0x3] =	sbarrier.arrive $0xFFFF;
	s2 =	simm.s32 @!p0 $0x1C01  }
0x58: {  	[timem:s3], [sflag:s2] =	dma.local @!p0 [hbm:s0], s1  }
0x59: {  	s0 =	simm.s32 @!p0 $0x1  }
0x5a: {  	_ =	swait.ge @!p0 [sflag:s0], s1  }
0x5b: {  	s1 =	ssub.s32 @!p0 $0x0, s1;
	[sflag:s0] =	ssyncset.done @!p0 $0x0  }
0x5c: {  	[sflag:s0] =	ssyncadd.s32 @!p0 s1  }
0x5d: {  	[bflag:$0x3] =	sbarrier.arrive $0xFFFF  }
0x5e: {  	_ =	shalt  }

</sc_bundles>
